<compile_context>
chip_gen: v7x
topology: tpu7x:2x2x1
jax: 0.10.2.dev20260603
libtpu: 0.0.44.dev20260713+nightly
codegen_flags: <defaults>
</compile_context>

<pallas_src>
import functools

import jax
import jax.numpy as jnp
from jax import lax
from jax.experimental import pallas as pl
from jax.experimental.pallas import tpu as pltpu
from jax.experimental.pallas import tpu_sc as plsc

N = 10000
E = 320000
D_FEAT = 128
H1 = 32
H2 = 2

NC = 2
NS = 16
NW = NC * NS
CHUNK = 128
RPW = 80
EPAD = NW * RPW * CHUNK
NPAD = 10240
NPT = NPAD // NS

_mesh = plsc.VectorSubcoreMesh(
    core_axis_name="c", subcore_axis_name="s", num_cores=NC, num_subcores=NS)


def _worker(c, s):
  return s * NC + c


@functools.partial(
    pl.kernel,
    out_type=jax.ShapeDtypeStruct((NC, NPAD), jnp.float32),
    mesh=_mesh,
    scratch_types=[
        pltpu.VMEM((RPW, CHUNK), jnp.int32),
        pltpu.VMEM((CHUNK,), jnp.float32),
        pltpu.VMEM((NPT,), jnp.float32),
        pltpu.VMEM_SHARED((NPAD,), jnp.float32),
    ],
    compiler_params=pltpu.CompilerParams(use_tc_tiling_on_sc=False),
)
def _deg_kernel(dst_hbm, out_hbm, idx_v, ones_v, zbuf, acc_sh):
  c = lax.axis_index("c")
  s = lax.axis_index("s")
  wid = _worker(c, s)

  def _zero(i, _):
    zbuf[pl.ds(i * 16, 16)] = jnp.zeros((16,), jnp.float32)
    return _

  lax.fori_loop(0, NPT // 16, _zero, None)

  def _one(i, _):
    ones_v[pl.ds(i * 16, 16)] = jnp.ones((16,), jnp.float32)
    return _

  lax.fori_loop(0, CHUNK // 16, _one, None)

  pltpu.sync_copy(zbuf, acc_sh.at[pl.ds(s * NPT, NPT)])
  pltpu.sync_copy(dst_hbm.at[pl.ds(wid * RPW, RPW)], idx_v)
  plsc.subcore_barrier()

  def _scatter(j, _):
    pltpu.sync_copy(ones_v, acc_sh.at[idx_v.at[j]], add=True)
    return _

  lax.fori_loop(0, RPW, _scatter, None)
  plsc.subcore_barrier()
  pltpu.sync_copy(acc_sh.at[pl.ds(s * NPT, NPT)],
                  out_hbm.at[c, pl.ds(s * NPT, NPT)])


def _make_agg(W):
  @functools.partial(
      pl.kernel,
      out_type=jax.ShapeDtypeStruct((NC, NPAD, W), jnp.float32),
      mesh=_mesh,
      scratch_types=[
          pltpu.VMEM((RPW, CHUNK), jnp.int32),
          pltpu.VMEM((RPW, CHUNK), jnp.int32),
          pltpu.VMEM((CHUNK, W), jnp.float32),
          pltpu.VMEM((CHUNK, W), jnp.float32),
          pltpu.VMEM_SHARED((NPAD, W), jnp.float32),
          pltpu.SemaphoreType.DMA,
          pltpu.SemaphoreType.DMA,
      ],
      compiler_params=pltpu.CompilerParams(use_tc_tiling_on_sc=False),
  )
  def _agg(g_hbm, src_hbm, dst_hbm, zeros_hbm, out_hbm, sidx, didx, rows0,
           rows1, acc_sh, sem0, sem1):
    c = lax.axis_index("c")
    s = lax.axis_index("s")
    wid = _worker(c, s)

    @pl.when(c == 0)
    def _():
      pltpu.sync_copy(g_hbm.at[pl.ds(s * NPT, NPT)],
                      acc_sh.at[pl.ds(s * NPT, NPT)])

    @pl.when(c != 0)
    def _():
      pltpu.sync_copy(zeros_hbm, acc_sh.at[pl.ds(s * NPT, NPT)])

    pltpu.sync_copy(src_hbm.at[pl.ds(wid * RPW, RPW)], sidx)
    pltpu.sync_copy(dst_hbm.at[pl.ds(wid * RPW, RPW)], didx)
    plsc.subcore_barrier()

    pltpu.async_copy(g_hbm.at[sidx.at[0]], rows0, sem0)
    pltpu.async_copy(g_hbm.at[sidx.at[1]], rows1, sem1)

    NIT = RPW // 2

    def _pair(j2, _):
      pltpu.make_async_copy(g_hbm.at[sidx.at[0]], rows0, sem0).wait()
      pltpu.sync_copy(rows0, acc_sh.at[didx.at[2 * j2]], add=True)

      @pl.when(j2 < NIT - 1)
      def _():
        pltpu.async_copy(g_hbm.at[sidx.at[2 * j2 + 2]], rows0, sem0)

      pltpu.make_async_copy(g_hbm.at[sidx.at[0]], rows1, sem1).wait()
      pltpu.sync_copy(rows1, acc_sh.at[didx.at[2 * j2 + 1]], add=True)

      @pl.when(j2 < NIT - 1)
      def _():
        pltpu.async_copy(g_hbm.at[sidx.at[2 * j2 + 3]], rows1, sem1)

      return _

    lax.fori_loop(0, NIT, _pair, None)
    plsc.subcore_barrier()
    pltpu.sync_copy(acc_sh.at[pl.ds(s * NPT, NPT)],
                    out_hbm.at[c, pl.ds(s * NPT, NPT)])

  return _agg


H2P = 8

_agg32 = _make_agg(H1)
_agg2 = _make_agg(H2P)


R1P = NPAD * H1 // 128
R2P = NPAD * H2P // 128


def _p1a_body(x_ref, w1_ref, h0_ref):
  h0_ref[...] = jnp.dot(x_ref[...], w1_ref[...],
                        preferred_element_type=jnp.float32,
                        precision=lax.Precision.HIGHEST)


def _p1b_body(deg_ref, h0_ref, g1_ref, dinv_ref):
  deg = deg_ref[0, :N] + deg_ref[1, :N] + 1.0
  dinv = lax.rsqrt(deg)
  g1_ref[:N, :] = h0_ref[...] * dinv[:, None]
  g1_ref[N:, :] = jnp.zeros((NPAD - N, H1), jnp.float32)
  dinv_ref[...] = dinv[:, None]


def _p3_body(s1_ref, dinvp_ref, b1p_ref, w2b_ref, dinv8_ref, g2_ref):
  z = (s1_ref[0] + s1_ref[1]) * dinvp_ref[...] + b1p_ref[...]
  h1 = jnp.maximum(z, 0.0)
  g2_ref[...] = jnp.dot(h1, w2b_ref[...],
                        preferred_element_type=jnp.float32,
                        precision=lax.Precision.HIGHEST) * dinv8_ref[...]


def _p5_body(s2_ref, dinv16_ref, b2p_ref, pswap_ref, out_ref):
  z = (s2_ref[0] + s2_ref[1]) * dinv16_ref[...] + b2p_ref[...]
  nb = jnp.dot(z, pswap_ref[...], preferred_element_type=jnp.float32,
               precision=lax.Precision.HIGHEST)
  m = jnp.maximum(z, nb)
  e = jnp.exp(z - m)
  esum = e + jnp.dot(e, pswap_ref[...], preferred_element_type=jnp.float32,
                     precision=lax.Precision.HIGHEST)
  out_ref[...] = e / esum


def kernel(x, edge_index, W1, b1, W2, b2):
  src = edge_index[0].astype(jnp.int32)
  dst = edge_index[1].astype(jnp.int32)
  npad_e = EPAD - E
  spread = jnp.arange(npad_e, dtype=jnp.int32) % (NPAD - N)
  src2d = jnp.concatenate([src, spread]).reshape(EPAD // CHUNK, CHUNK)
  dst2d = jnp.concatenate([dst, N + spread]).reshape(EPAD // CHUNK, CHUNK)

  deg_parts = _deg_kernel(dst2d)

  h0 = pl.pallas_call(
      _p1a_body,
      out_shape=jax.ShapeDtypeStruct((N, H1), jnp.float32),
  )(x, W1)
  g1, dinv = pl.pallas_call(
      _p1b_body,
      out_shape=[
          jax.ShapeDtypeStruct((NPAD, H1), jnp.float32),
          jax.ShapeDtypeStruct((N, 1), jnp.float32),
      ],
  )(deg_parts, h0)

  z32 = jnp.zeros((NPT, H1), jnp.float32)
  z2 = jnp.zeros((NPT, H2P), jnp.float32)
  s1_parts = _agg32(g1, src2d, dst2d, z32)

  dinv_pad = jnp.concatenate(
      [dinv, jnp.zeros((NPAD - N, 1), jnp.float32)])
  dinvp = jnp.broadcast_to(
      dinv_pad.reshape(R1P, 4, 1), (R1P, 4, H1)).reshape(R1P, 128)
  dinv8 = jnp.broadcast_to(
      dinv_pad.reshape(R1P, 4, 1), (R1P, 4, H2P)).reshape(R1P, 4 * H2P)
  dinv16 = jnp.broadcast_to(
      dinv_pad.reshape(R2P, 16, 1), (R2P, 16, H2P)).reshape(R2P, 128)
  b1p = jnp.tile(b1, 4).reshape(1, 128)
  w2p = jnp.zeros((H1, H2P), jnp.float32).at[:, :H2].set(W2)
  w2b = jnp.kron(jnp.eye(4, dtype=jnp.float32), w2p)
  b2p = jnp.tile(jnp.concatenate([b2, jnp.zeros((H2P - H2,), jnp.float32)]),
                 16).reshape(1, 128)
  lane0 = 8 * jnp.arange(16)
  pswap = (jnp.zeros((128, 128), jnp.float32)
           .at[lane0, lane0 + 1].set(1.0)
           .at[lane0 + 1, lane0].set(1.0))

  g2 = pl.pallas_call(
      _p3_body,
      out_shape=jax.ShapeDtypeStruct((R1P, 4 * H2P), jnp.float32),
  )(s1_parts.reshape(NC, R1P, 128), dinvp, b1p, w2b, dinv8)

  s2_parts = _agg2(g2.reshape(NPAD, H2P), src2d, dst2d, z2)

  outp = pl.pallas_call(
      _p5_body,
      out_shape=jax.ShapeDtypeStruct((R2P, 128), jnp.float32),
  )(s2_parts.reshape(NC, R2P, 128), dinv16, b2p, pswap)
  return outp.reshape(NPAD, H2P)[:N, :H2]

# --- scband reference (transcript-rebuilt; emitter-appended) ---
"""Pipeline reference for scband-gnnmodel-27367531610284 (READ-ONLY COPY).

The authoritative reference and input builder live on the scoring server;
editing this copy changes nothing except your own understanding.
"""

import jax, jax.numpy as jnp
import numpy as np

N_NODES = 10000
N_EDGES = 320000
D_FEAT = 128
H1 = 32
H2 = 2


def setup_inputs(seed: int = 0) -> dict:
    key = jax.random.key(seed)
    k1, k2, k3, k4, k5, k6 = jax.random.split(key, 6)
    x = jax.random.normal(k1, (N_NODES, D_FEAT), dtype=jnp.float32)
    edge_index = jax.random.randint(k2, (2, N_EDGES), 0, N_NODES).astype(jnp.int64)
    W1 = jax.random.normal(k3, (D_FEAT, H1), dtype=jnp.float32) * (1.0 / np.sqrt(D_FEAT))
    b1 = jnp.zeros((H1,), dtype=jnp.float32)
    W2 = jax.random.normal(k4, (H1, H2), dtype=jnp.float32) * (1.0 / np.sqrt(H1))
    b2 = jnp.zeros((H2,), dtype=jnp.float32)
    return {"x": x, "edge_index": edge_index, "W1": W1, "b1": b1, "W2": W2, "b2": b2}


def reference(x, edge_index, W1, b1, W2, b2):
    # GCNModel: two GCNConv layers (Kipf & Welling). A_hat = D^-1/2 (A + I) D^-1/2
    N = x.shape[0]
    src = edge_index[0]
    dst = edge_index[1]
    loop = jnp.arange(N, dtype=src.dtype)
    src = jnp.concatenate([src, loop])
    dst = jnp.concatenate([dst, loop])
    ones = jnp.ones(src.shape[0], dtype=x.dtype)
    deg = jax.ops.segment_sum(ones, dst, num_segments=N)
    dinv = jnp.where(deg > 0, 1.0 / jnp.sqrt(deg), 0.0)
    norm = dinv[src] * dinv[dst]

    def gcn_layer(h, W, b):
        h = h @ W
        msg = h[src] * norm[:, None]  # gather
        agg = jax.ops.segment_sum(msg, dst, num_segments=N)  # scatter-add
        return agg + b

    h = jax.nn.relu(gcn_layer(x, W1, b1))
    out = jax.nn.softmax(gcn_layer(h, W2, b2), axis=-1)
    return out

if __name__ == "__main__":
    import jax
    _d = setup_inputs()
    print(jax.jit(kernel)(*tuple(_d.values())))

</pallas_src>

<mosaic_0001>
#map = affine_map<(d0, d1) -> (0, 0)>
#map1 = affine_map<(d0, d1) -> (0, 0, 0)>
module attributes {stable_mosaic.version = 14 : i64} {
  func.func @_agg(%arg0: i32, %arg1: i32, %arg2: memref<10240x32xf32, #tpu.memory_space<hbm>>, %arg3: memref<2560x128xi32, #tpu.memory_space<hbm>>, %arg4: memref<2560x128xi32, #tpu.memory_space<hbm>>, %arg5: memref<640x32xf32, #tpu.memory_space<hbm>>, %arg6: memref<2x10240x32xf32, #tpu.memory_space<hbm>>, %arg7: memref<80x128xi32, #tpu.memory_space<vmem>>, %arg8: memref<80x128xi32, #tpu.memory_space<vmem>>, %arg9: memref<128x32xf32, #tpu.memory_space<vmem>>, %arg10: memref<128x32xf32, #tpu.memory_space<vmem>>, %arg11: memref<10240x32xf32, #tpu.memory_space<vmem_shared>>, %arg12: memref<!tpu.dma_semaphore, #tpu.memory_space<semaphore_mem>>, %arg13: memref<!tpu.dma_semaphore, #tpu.memory_space<semaphore_mem>>) attributes {dimension_semantics = [#tpu.dimension_semantics<core_parallel>, #tpu.dimension_semantics<subcore_parallel>], iteration_bounds = array<i64: 2, 16>, scalar_prefetch = 0 : i64, scratch_operands = 7 : i64, tpu.core_type = #tpu.core_type<sc_vector_subcore>, window_params = [{transform_indices = #map}, {transform_indices = #map}, {transform_indices = #map}, {transform_indices = #map}, {transform_indices = #map1}]} {
    %mul3A = arith.constant 2 : i32
    %mul3A_0 = arith.muli %arg1, %mul3A : i32
    %add3A = arith.addi %mul3A_0, %arg0 : i32
    %eq3A = arith.constant 0 : i32
    %eq3A_1 = arith.cmpi eq, %arg0, %eq3A : i32
    %convert_element_type3A = arith.extui %eq3A_1 : i1 to i32
    %cond3A = arith.constant 0 : i32
    %cond3A_2 = arith.cmpi ne, %convert_element_type3A, %cond3A : i32
    scf.if %cond3A_2 {
      %mul3A_33 = arith.constant 640 : i32
      %mul3A_34 = arith.muli %arg1, %mul3A_33 : i32
      %mul3A_35 = arith.constant 640 : i32
      %mul3A_36 = arith.muli %arg1, %mul3A_35 : i32
      "tpu.region"() ({
        %run_scoped3A = tpu.sem_alloc : memref<!tpu.dma_semaphore, #tpu.memory_space<semaphore_mem>>
        %dma_start3A_37 = arith.constant 0 : i32
        %dma_start3A_38 = tpu.memref_slice %arg11[%mul3A_36, %dma_start3A_37] : memref<10240x32xf32, #tpu.memory_space<vmem_shared>> -> memref<640x32xf32, #tpu.memory_space<vmem_shared>>
        %dma_start3A_39 = arith.constant 0 : i32
        %dma_start3A_40 = tpu.memref_slice %arg2[%mul3A_34, %dma_start3A_39] : memref<10240x32xf32, #tpu.memory_space<hbm>> -> memref<640x32xf32, #tpu.memory_space<hbm>>
        tpu.enqueue_dma source(%dma_start3A_40 : memref<640x32xf32, #tpu.memory_space<hbm>>) target(%dma_start3A_38 : memref<640x32xf32, #tpu.memory_space<vmem_shared>>) target_semaphore(%run_scoped3A : memref<!tpu.dma_semaphore, #tpu.memory_space<semaphore_mem>>)
        %dma_wait3A = arith.constant 0 : i32
        %dma_wait3A_41 = tpu.memref_slice %arg11[%mul3A_36, %dma_wait3A] : memref<10240x32xf32, #tpu.memory_space<vmem_shared>> -> memref<640x32xf32, #tpu.memory_space<vmem_shared>>
        %dma_wait3A_42 = arith.constant 0 : i32
        %dma_wait3A_43 = tpu.memref_slice %arg2[%mul3A_34, %dma_wait3A_42] : memref<10240x32xf32, #tpu.memory_space<hbm>> -> memref<640x32xf32, #tpu.memory_space<hbm>>
        tpu.wait_dma2 semaphore(%run_scoped3A : memref<!tpu.dma_semaphore, #tpu.memory_space<semaphore_mem>>) src(%dma_wait3A_43 : memref<640x32xf32, #tpu.memory_space<hbm>>) dst(%dma_wait3A_41 : memref<640x32xf32, #tpu.memory_space<vmem_shared>>)
        tpu.yield
      }) : () -> ()
    } else {
    }
    %ne3A = arith.constant 0 : i32
    %ne3A_3 = arith.cmpi ne, %arg0, %ne3A : i32
    %convert_element_type3A_4 = arith.extui %ne3A_3 : i1 to i32
    %cond3A_5 = arith.constant 0 : i32
    %cond3A_6 = arith.cmpi ne, %convert_element_type3A_4, %cond3A_5 : i32
    scf.if %cond3A_6 {
      %mul3A_33 = arith.constant 640 : i32
      %mul3A_34 = arith.muli %arg1, %mul3A_33 : i32
      "tpu.region"() ({
        %run_scoped3A = tpu.sem_alloc : memref<!tpu.dma_semaphore, #tpu.memory_space<semaphore_mem>>
        %dma_start3A_35 = arith.constant 0 : i32
        %dma_start3A_36 = tpu.memref_slice %arg11[%mul3A_34, %dma_start3A_35] : memref<10240x32xf32, #tpu.memory_space<vmem_shared>> -> memref<640x32xf32, #tpu.memory_space<vmem_shared>>
        tpu.enqueue_dma source(%arg5 : memref<640x32xf32, #tpu.memory_space<hbm>>) target(%dma_start3A_36 : memref<640x32xf32, #tpu.memory_space<vmem_shared>>) target_semaphore(%run_scoped3A : memref<!tpu.dma_semaphore, #tpu.memory_space<semaphore_mem>>)
        %dma_wait3A = arith.constant 0 : i32
        %dma_wait3A_37 = tpu.memref_slice %arg11[%mul3A_34, %dma_wait3A] : memref<10240x32xf32, #tpu.memory_space<vmem_shared>> -> memref<640x32xf32, #tpu.memory_space<vmem_shared>>
        tpu.wait_dma2 semaphore(%run_scoped3A : memref<!tpu.dma_semaphore, #tpu.memory_space<semaphore_mem>>) src(%arg5 : memref<640x32xf32, #tpu.memory_space<hbm>>) dst(%dma_wait3A_37 : memref<640x32xf32, #tpu.memory_space<vmem_shared>>)
        tpu.yield
      }) : () -> ()
    } else {
    }
    %mul3A_7 = arith.constant 80 : i32
    %mul3A_8 = arith.muli %add3A, %mul3A_7 : i32
    "tpu.region"() ({
      %run_scoped3A = tpu.sem_alloc : memref<!tpu.dma_semaphore, #tpu.memory_space<semaphore_mem>>
      %dma_start3A_33 = arith.constant 0 : i32
      %dma_start3A_34 = tpu.memref_slice %arg3[%mul3A_8, %dma_start3A_33] : memref<2560x128xi32, #tpu.memory_space<hbm>> -> memref<80x128xi32, #tpu.memory_space<hbm>>
      %dma_start3A_35 = arith.constant 0 : i32
      %dma_start3A_36 = tpu.memref_slice %arg3[%mul3A_8, %dma_start3A_35] : memref<2560x128xi32, #tpu.memory_space<hbm>> -> memref<80x128xi32, #tpu.memory_space<hbm>>
      tpu.enqueue_dma source(%dma_start3A_36 : memref<80x128xi32, #tpu.memory_space<hbm>>) target(%arg7 : memref<80x128xi32, #tpu.memory_space<vmem>>) target_semaphore(%run_scoped3A : memref<!tpu.dma_semaphore, #tpu.memory_space<semaphore_mem>>)
      %dma_wait3A = arith.constant 0 : i32
      %dma_wait3A_37 = tpu.memref_slice %arg3[%mul3A_8, %dma_wait3A] : memref<2560x128xi32, #tpu.memory_space<hbm>> -> memref<80x128xi32, #tpu.memory_space<hbm>>
      %dma_wait3A_38 = arith.constant 0 : i32
      %dma_wait3A_39 = tpu.memref_slice %arg3[%mul3A_8, %dma_wait3A_38] : memref<2560x128xi32, #tpu.memory_space<hbm>> -> memref<80x128xi32, #tpu.memory_space<hbm>>
      tpu.wait_dma2 semaphore(%run_scoped3A : memref<!tpu.dma_semaphore, #tpu.memory_space<semaphore_mem>>) src(%dma_wait3A_39 : memref<80x128xi32, #tpu.memory_space<hbm>>) dst(%arg7 : memref<80x128xi32, #tpu.memory_space<vmem>>)
      tpu.yield
    }) : () -> ()
    %mul3A_9 = arith.constant 80 : i32
    %mul3A_10 = arith.muli %add3A, %mul3A_9 : i32
    "tpu.region"() ({
      %run_scoped3A = tpu.sem_alloc : memref<!tpu.dma_semaphore, #tpu.memory_space<semaphore_mem>>
      %dma_start3A_33 = arith.constant 0 : i32
      %dma_start3A_34 = tpu.memref_slice %arg4[%mul3A_10, %dma_start3A_33] : memref<2560x128xi32, #tpu.memory_space<hbm>> -> memref<80x128xi32, #tpu.memory_space<hbm>>
      %dma_start3A_35 = arith.constant 0 : i32
      %dma_start3A_36 = tpu.memref_slice %arg4[%mul3A_10, %dma_start3A_35] : memref<2560x128xi32, #tpu.memory_space<hbm>> -> memref<80x128xi32, #tpu.memory_space<hbm>>
      tpu.enqueue_dma source(%dma_start3A_36 : memref<80x128xi32, #tpu.memory_space<hbm>>) target(%arg8 : memref<80x128xi32, #tpu.memory_space<vmem>>) target_semaphore(%run_scoped3A : memref<!tpu.dma_semaphore, #tpu.memory_space<semaphore_mem>>)
      %dma_wait3A = arith.constant 0 : i32
      %dma_wait3A_37 = tpu.memref_slice %arg4[%mul3A_10, %dma_wait3A] : memref<2560x128xi32, #tpu.memory_space<hbm>> -> memref<80x128xi32, #tpu.memory_space<hbm>>
      %dma_wait3A_38 = arith.constant 0 : i32
      %dma_wait3A_39 = tpu.memref_slice %arg4[%mul3A_10, %dma_wait3A_38] : memref<2560x128xi32, #tpu.memory_space<hbm>> -> memref<80x128xi32, #tpu.memory_space<hbm>>
      tpu.wait_dma2 semaphore(%run_scoped3A : memref<!tpu.dma_semaphore, #tpu.memory_space<semaphore_mem>>) src(%dma_wait3A_39 : memref<80x128xi32, #tpu.memory_space<hbm>>) dst(%arg8 : memref<80x128xi32, #tpu.memory_space<vmem>>)
      tpu.yield
    }) : () -> ()
    %barrier3A = arith.constant 0 : index
    tpu.barrier barrier_id(%barrier3A)
    %dma_start3A = arith.constant 0 : i32
    %dma_start3A_11 = arith.constant 0 : i32
    %dma_start3A_12 = tpu.memref_slice %arg7[%dma_start3A, %dma_start3A_11] : memref<80x128xi32, #tpu.memory_space<vmem>> -> memref<1x128xi32, #tpu.memory_space<vmem>>
    %dma_start3A_13 = tpu.memref_squeeze %dma_start3A_12 : memref<1x128xi32, #tpu.memory_space<vmem>> -> memref<128xi32, #tpu.memory_space<vmem>>
    %dma_start3A_14 = arith.constant 0 : i32
    %dma_start3A_15 = arith.constant 0 : i32
    %dma_start3A_16 = tpu.memref_slice %arg2[%dma_start3A_14, %dma_start3A_15] : memref<10240x32xf32, #tpu.memory_space<hbm>> -> memref<10240x32xf32, #tpu.memory_space<hbm>>
    tpu.enqueue_indirect_dma source(%dma_start3A_16 : memref<10240x32xf32, #tpu.memory_space<hbm>>) target(%arg9 : memref<128x32xf32, #tpu.memory_space<vmem>>) offsets(%dma_start3A_13 : memref<128xi32, #tpu.memory_space<vmem>>) semaphore(%arg12 : memref<!tpu.dma_semaphore, #tpu.memory_space<semaphore_mem>>)
    %dma_start3A_17 = arith.constant 1 : i32
    %dma_start3A_18 = arith.constant 0 : i32
    %dma_start3A_19 = tpu.memref_slice %arg7[%dma_start3A_17, %dma_start3A_18] : memref<80x128xi32, #tpu.memory_space<vmem>> -> memref<1x128xi32, #tpu.memory_space<vmem>>
    %dma_start3A_20 = tpu.memref_squeeze %dma_start3A_19 : memref<1x128xi32, #tpu.memory_space<vmem>> -> memref<128xi32, #tpu.memory_space<vmem>>
    %dma_start3A_21 = arith.constant 0 : i32
    %dma_start3A_22 = arith.constant 0 : i32
    %dma_start3A_23 = tpu.memref_slice %arg2[%dma_start3A_21, %dma_start3A_22] : memref<10240x32xf32, #tpu.memory_space<hbm>> -> memref<10240x32xf32, #tpu.memory_space<hbm>>
    tpu.enqueue_indirect_dma source(%dma_start3A_23 : memref<10240x32xf32, #tpu.memory_space<hbm>>) target(%arg10 : memref<128x32xf32, #tpu.memory_space<vmem>>) offsets(%dma_start3A_20 : memref<128xi32, #tpu.memory_space<vmem>>) semaphore(%arg13 : memref<!tpu.dma_semaphore, #tpu.memory_space<semaphore_mem>>)
    %scan3A = arith.constant 0 : i32
    %scan3A_24 = arith.constant 40 : i32
    %scan3A_25 = arith.addi %scan3A, %scan3A_24 : i32
    %scan3A_26 = arith.constant 1 : i32
    scf.for %scan3A_33 = %scan3A to %scan3A_25 step %scan3A_26  : i32 {
      %dma_wait3A = arith.constant 0 : i32
      %dma_wait3A_34 = arith.constant 0 : i32
      %dma_wait3A_35 = tpu.memref_slice %arg7[%dma_wait3A, %dma_wait3A_34] : memref<80x128xi32, #tpu.memory_space<vmem>> -> memref<1x128xi32, #tpu.memory_space<vmem>>
      %dma_wait3A_36 = tpu.memref_squeeze %dma_wait3A_35 : memref<1x128xi32, #tpu.memory_space<vmem>> -> memref<128xi32, #tpu.memory_space<vmem>>
      %dma_wait3A_37 = arith.constant 0 : i32
      %dma_wait3A_38 = arith.constant 0 : i32
      %dma_wait3A_39 = tpu.memref_slice %arg2[%dma_wait3A_37, %dma_wait3A_38] : memref<10240x32xf32, #tpu.memory_space<hbm>> -> memref<10240x32xf32, #tpu.memory_space<hbm>>
      tpu.wait_indirect_dma semaphore(%arg12 : memref<!tpu.dma_semaphore, #tpu.memory_space<semaphore_mem>>) src(%dma_wait3A_39 : memref<10240x32xf32, #tpu.memory_space<hbm>>) dst(%arg9 : memref<128x32xf32, #tpu.memory_space<vmem>>)
      %mul3A_40 = arith.constant 2 : i32
      %mul3A_41 = arith.muli %mul3A_40, %scan3A_33 : i32
      "tpu.region"() ({
        %run_scoped3A = tpu.sem_alloc : memref<!tpu.dma_semaphore, #tpu.memory_space<semaphore_mem>>
        %dma_start3A_62 = arith.constant 0 : i32
        %dma_start3A_63 = tpu.memref_slice %arg8[%mul3A_41, %dma_start3A_62] : memref<80x128xi32, #tpu.memory_space<vmem>> -> memref<1x128xi32, #tpu.memory_space<vmem>>
        %dma_start3A_64 = tpu.memref_squeeze %dma_start3A_63 : memref<1x128xi32, #tpu.memory_space<vmem>> -> memref<128xi32, #tpu.memory_space<vmem>>
        %dma_start3A_65 = arith.constant 0 : i32
        %dma_start3A_66 = arith.constant 0 : i32
        %dma_start3A_67 = tpu.memref_slice %arg11[%dma_start3A_65, %dma_start3A_66] : memref<10240x32xf32, #tpu.memory_space<vmem_shared>> -> memref<10240x32xf32, #tpu.memory_space<vmem_shared>>
        tpu.enqueue_indirect_dma source(%arg9 : memref<128x32xf32, #tpu.memory_space<vmem>>) target(%dma_start3A_67 : memref<10240x32xf32, #tpu.memory_space<vmem_shared>>) offsets(%dma_start3A_64 : memref<128xi32, #tpu.memory_space<vmem>>) semaphore(%run_scoped3A : memref<!tpu.dma_semaphore, #tpu.memory_space<semaphore_mem>>) {add = true}
        %dma_wait3A_68 = arith.constant 0 : i32
        %dma_wait3A_69 = tpu.memref_slice %arg8[%mul3A_41, %dma_wait3A_68] : memref<80x128xi32, #tpu.memory_space<vmem>> -> memref<1x128xi32, #tpu.memory_space<vmem>>
        %dma_wait3A_70 = tpu.memref_squeeze %dma_wait3A_69 : memref<1x128xi32, #tpu.memory_space<vmem>> -> memref<128xi32, #tpu.memory_space<vmem>>
        %dma_wait3A_71 = arith.constant 0 : i32
        %dma_wait3A_72 = arith.constant 0 : i32
        %dma_wait3A_73 = tpu.memref_slice %arg11[%dma_wait3A_71, %dma_wait3A_72] : memref<10240x32xf32, #tpu.memory_space<vmem_shared>> -> memref<10240x32xf32, #tpu.memory_space<vmem_shared>>
        tpu.wait_indirect_dma semaphore(%run_scoped3A : memref<!tpu.dma_semaphore, #tpu.memory_space<semaphore_mem>>) src(%arg9 : memref<128x32xf32, #tpu.memory_space<vmem>>) dst(%dma_wait3A_73 : memref<10240x32xf32, #tpu.memory_space<vmem_shared>>)
        tpu.yield
      }) : () -> ()
      %lt3A = arith.constant 39 : i32
      %lt3A_42 = arith.cmpi slt, %scan3A_33, %lt3A : i32
      %convert_element_type3A_43 = arith.extui %lt3A_42 : i1 to i32
      %cond3A_44 = arith.constant 0 : i32
      %cond3A_45 = arith.cmpi ne, %convert_element_type3A_43, %cond3A_44 : i32
      scf.if %cond3A_45 {
        %mul3A_62 = arith.constant 2 : i32
        %mul3A_63 = arith.muli %mul3A_62, %scan3A_33 : i32
        %add3A_64 = arith.constant 2 : i32
        %add3A_65 = arith.addi %mul3A_63, %add3A_64 : i32
        %dma_start3A_66 = arith.constant 0 : i32
        %dma_start3A_67 = tpu.memref_slice %arg7[%add3A_65, %dma_start3A_66] : memref<80x128xi32, #tpu.memory_space<vmem>> -> memref<1x128xi32, #tpu.memory_space<vmem>>
        %dma_start3A_68 = tpu.memref_squeeze %dma_start3A_67 : memref<1x128xi32, #tpu.memory_space<vmem>> -> memref<128xi32, #tpu.memory_space<vmem>>
        %dma_start3A_69 = arith.constant 0 : i32
        %dma_start3A_70 = arith.constant 0 : i32
        %dma_start3A_71 = tpu.memref_slice %arg2[%dma_start3A_69, %dma_start3A_70] : memref<10240x32xf32, #tpu.memory_space<hbm>> -> memref<10240x32xf32, #tpu.memory_space<hbm>>
        tpu.enqueue_indirect_dma source(%dma_start3A_71 : memref<10240x32xf32, #tpu.memory_space<hbm>>) target(%arg9 : memref<128x32xf32, #tpu.memory_space<vmem>>) offsets(%dma_start3A_68 : memref<128xi32, #tpu.memory_space<vmem>>) semaphore(%arg12 : memref<!tpu.dma_semaphore, #tpu.memory_space<semaphore_mem>>)
      } else {
      }
      %dma_wait3A_46 = arith.constant 0 : i32
      %dma_wait3A_47 = arith.constant 0 : i32
      %dma_wait3A_48 = tpu.memref_slice %arg7[%dma_wait3A_46, %dma_wait3A_47] : memref<80x128xi32, #tpu.memory_space<vmem>> -> memref<1x128xi32, #tpu.memory_space<vmem>>
      %dma_wait3A_49 = tpu.memref_squeeze %dma_wait3A_48 : memref<1x128xi32, #tpu.memory_space<vmem>> -> memref<128xi32, #tpu.memory_space<vmem>>
      %dma_wait3A_50 = arith.constant 0 : i32
      %dma_wait3A_51 = arith.constant 0 : i32
      %dma_wait3A_52 = tpu.memref_slice %arg2[%dma_wait3A_50, %dma_wait3A_51] : memref<10240x32xf32, #tpu.memory_space<hbm>> -> memref<10240x32xf32, #tpu.memory_space<hbm>>
      tpu.wait_indirect_dma semaphore(%arg13 : memref<!tpu.dma_semaphore, #tpu.memory_space<semaphore_mem>>) src(%dma_wait3A_52 : memref<10240x32xf32, #tpu.memory_space<hbm>>) dst(%arg10 : memref<128x32xf32, #tpu.memory_space<vmem>>)
      %mul3A_53 = arith.constant 2 : i32
      %mul3A_54 = arith.muli %mul3A_53, %scan3A_33 : i32
      %add3A_55 = arith.constant 1 : i32
      %add3A_56 = arith.addi %mul3A_54, %add3A_55 : i32
      "tpu.region"() ({
        %run_scoped3A = tpu.sem_alloc : memref<!tpu.dma_semaphore, #tpu.memory_space<semaphore_mem>>
        %dma_start3A_62 = arith.constant 0 : i32
        %dma_start3A_63 = tpu.memref_slice %arg8[%add3A_56, %dma_start3A_62] : memref<80x128xi32, #tpu.memory_space<vmem>> -> memref<1x128xi32, #tpu.memory_space<vmem>>
        %dma_start3A_64 = tpu.memref_squeeze %dma_start3A_63 : memref<1x128xi32, #tpu.memory_space<vmem>> -> memref<128xi32, #tpu.memory_space<vmem>>
        %dma_start3A_65 = arith.constant 0 : i32
        %dma_start3A_66 = arith.constant 0 : i32
        %dma_start3A_67 = tpu.memref_slice %arg11[%dma_start3A_65, %dma_start3A_66] : memref<10240x32xf32, #tpu.memory_space<vmem_shared>> -> memref<10240x32xf32, #tpu.memory_space<vmem_shared>>
        tpu.enqueue_indirect_dma source(%arg10 : memref<128x32xf32, #tpu.memory_space<vmem>>) target(%dma_start3A_67 : memref<10240x32xf32, #tpu.memory_space<vmem_shared>>) offsets(%dma_start3A_64 : memref<128xi32, #tpu.memory_space<vmem>>) semaphore(%run_scoped3A : memref<!tpu.dma_semaphore, #tpu.memory_space<semaphore_mem>>) {add = true}
        %dma_wait3A_68 = arith.constant 0 : i32
        %dma_wait3A_69 = tpu.memref_slice %arg8[%add3A_56, %dma_wait3A_68] : memref<80x128xi32, #tpu.memory_space<vmem>> -> memref<1x128xi32, #tpu.memory_space<vmem>>
        %dma_wait3A_70 = tpu.memref_squeeze %dma_wait3A_69 : memref<1x128xi32, #tpu.memory_space<vmem>> -> memref<128xi32, #tpu.memory_space<vmem>>
        %dma_wait3A_71 = arith.constant 0 : i32
        %dma_wait3A_72 = arith.constant 0 : i32
        %dma_wait3A_73 = tpu.memref_slice %arg11[%dma_wait3A_71, %dma_wait3A_72] : memref<10240x32xf32, #tpu.memory_space<vmem_shared>> -> memref<10240x32xf32, #tpu.memory_space<vmem_shared>>
        tpu.wait_indirect_dma semaphore(%run_scoped3A : memref<!tpu.dma_semaphore, #tpu.memory_space<semaphore_mem>>) src(%arg10 : memref<128x32xf32, #tpu.memory_space<vmem>>) dst(%dma_wait3A_73 : memref<10240x32xf32, #tpu.memory_space<vmem_shared>>)
        tpu.yield
      }) : () -> ()
      %lt3A_57 = arith.constant 39 : i32
      %lt3A_58 = arith.cmpi slt, %scan3A_33, %lt3A_57 : i32
      %convert_element_type3A_59 = arith.extui %lt3A_58 : i1 to i32
      %cond3A_60 = arith.constant 0 : i32
      %cond3A_61 = arith.cmpi ne, %convert_element_type3A_59, %cond3A_60 : i32
      scf.if %cond3A_61 {
        %mul3A_62 = arith.constant 2 : i32
        %mul3A_63 = arith.muli %mul3A_62, %scan3A_33 : i32
        %add3A_64 = arith.constant 3 : i32
        %add3A_65 = arith.addi %mul3A_63, %add3A_64 : i32
        %dma_start3A_66 = arith.constant 0 : i32
        %dma_start3A_67 = tpu.memref_slice %arg7[%add3A_65, %dma_start3A_66] : memref<80x128xi32, #tpu.memory_space<vmem>> -> memref<1x128xi32, #tpu.memory_space<vmem>>
        %dma_start3A_68 = tpu.memref_squeeze %dma_start3A_67 : memref<1x128xi32, #tpu.memory_space<vmem>> -> memref<128xi32, #tpu.memory_space<vmem>>
        %dma_start3A_69 = arith.constant 0 : i32
        %dma_start3A_70 = arith.constant 0 : i32
        %dma_start3A_71 = tpu.memref_slice %arg2[%dma_start3A_69, %dma_start3A_70] : memref<10240x32xf32, #tpu.memory_space<hbm>> -> memref<10240x32xf32, #tpu.memory_space<hbm>>
        tpu.enqueue_indirect_dma source(%dma_start3A_71 : memref<10240x32xf32, #tpu.memory_space<hbm>>) target(%arg10 : memref<128x32xf32, #tpu.memory_space<vmem>>) offsets(%dma_start3A_68 : memref<128xi32, #tpu.memory_space<vmem>>) semaphore(%arg13 : memref<!tpu.dma_semaphore, #tpu.memory_space<semaphore_mem>>)
      } else {
      }
    }
    %scan3A_27 = arith.constant 40 : i32
    %barrier3A_28 = arith.constant 0 : index
    tpu.barrier barrier_id(%barrier3A_28)
    %mul3A_29 = arith.constant 640 : i32
    %mul3A_30 = arith.muli %arg1, %mul3A_29 : i32
    %mul3A_31 = arith.constant 640 : i32
    %mul3A_32 = arith.muli %arg1, %mul3A_31 : i32
    "tpu.region"() ({
      %run_scoped3A = tpu.sem_alloc : memref<!tpu.dma_semaphore, #tpu.memory_space<semaphore_mem>>
      %dma_start3A_33 = arith.constant 0 : i32
      %dma_start3A_34 = tpu.memref_slice %arg6[%arg0, %mul3A_32, %dma_start3A_33] : memref<2x10240x32xf32, #tpu.memory_space<hbm>> -> memref<1x640x32xf32, #tpu.memory_space<hbm>>
      %dma_start3A_35 = tpu.memref_squeeze %dma_start3A_34 : memref<1x640x32xf32, #tpu.memory_space<hbm>> -> memref<640x32xf32, #tpu.memory_space<hbm>>
      %dma_start3A_36 = arith.constant 0 : i32
      %dma_start3A_37 = tpu.memref_slice %arg11[%mul3A_30, %dma_start3A_36] : memref<10240x32xf32, #tpu.memory_space<vmem_shared>> -> memref<640x32xf32, #tpu.memory_space<vmem_shared>>
      tpu.enqueue_dma source(%dma_start3A_37 : memref<640x32xf32, #tpu.memory_space<vmem_shared>>) target(%dma_start3A_35 : memref<640x32xf32, #tpu.memory_space<hbm>>) target_semaphore(%run_scoped3A : memref<!tpu.dma_semaphore, #tpu.memory_space<semaphore_mem>>)
      %dma_wait3A = arith.constant 0 : i32
      %dma_wait3A_38 = tpu.memref_slice %arg6[%arg0, %mul3A_32, %dma_wait3A] : memref<2x10240x32xf32, #tpu.memory_space<hbm>> -> memref<1x640x32xf32, #tpu.memory_space<hbm>>
      %dma_wait3A_39 = tpu.memref_squeeze %dma_wait3A_38 : memref<1x640x32xf32, #tpu.memory_space<hbm>> -> memref<640x32xf32, #tpu.memory_space<hbm>>
      %dma_wait3A_40 = arith.constant 0 : i32
      %dma_wait3A_41 = tpu.memref_slice %arg11[%mul3A_30, %dma_wait3A_40] : memref<10240x32xf32, #tpu.memory_space<vmem_shared>> -> memref<640x32xf32, #tpu.memory_space<vmem_shared>>
      tpu.wait_dma2 semaphore(%run_scoped3A : memref<!tpu.dma_semaphore, #tpu.memory_space<semaphore_mem>>) src(%dma_wait3A_41 : memref<640x32xf32, #tpu.memory_space<vmem_shared>>) dst(%dma_wait3A_39 : memref<640x32xf32, #tpu.memory_space<hbm>>)
      tpu.yield
    }) : () -> ()
    return
  }
}

#map = affine_map<(d0, d1) -> (0, 0)>
module attributes {stable_mosaic.version = 14 : i64} {
  func.func @_deg_kernel(%arg0: i32, %arg1: i32, %arg2: memref<2560x128xi32, #tpu.memory_space<hbm>>, %arg3: memref<2x10240xf32, #tpu.memory_space<hbm>>, %arg4: memref<80x128xi32, #tpu.memory_space<vmem>>, %arg5: memref<128xf32, #tpu.memory_space<vmem>>, %arg6: memref<640xf32, #tpu.memory_space<vmem>>, %arg7: memref<10240xf32, #tpu.memory_space<vmem_shared>>) attributes {dimension_semantics = [#tpu.dimension_semantics<core_parallel>, #tpu.dimension_semantics<subcore_parallel>], iteration_bounds = array<i64: 2, 16>, scalar_prefetch = 0 : i64, scratch_operands = 4 : i64, tpu.core_type = #tpu.core_type<sc_vector_subcore>, window_params = [{transform_indices = #map}, {transform_indices = #map}]} {
    %mul3A = arith.constant 2 : i32
    %mul3A_0 = arith.muli %arg1, %mul3A : i32
    %add3A = arith.addi %mul3A_0, %arg0 : i32
    %scan3A = arith.constant 0 : i32
    %scan3A_1 = arith.constant 40 : i32
    %scan3A_2 = arith.addi %scan3A, %scan3A_1 : i32
    %scan3A_3 = arith.constant 1 : i32
    scf.for %scan3A_24 = %scan3A to %scan3A_2 step %scan3A_3  : i32 {
      %broadcast_in_dim3A = arith.constant 0.000000e+00 : f32
      %broadcast_in_dim3A_25 = vector.broadcast %broadcast_in_dim3A : f32 to vector<16xf32>
      %mul3A_26 = arith.constant 16 : i32
      %mul3A_27 = arith.muli %scan3A_24, %mul3A_26 : i32
      %swap3A = arith.index_cast %mul3A_27 : i32 to index
      %swap3A_28 = tpu.vector_load %arg6[%swap3A] {strides = array<i32>} : memref<640xf32, #tpu.memory_space<vmem>>, vector<16xf32>,
      %swap3A_29 = vector.shape_cast %swap3A_28 : vector<16xf32> to vector<16xf32>
      %swap3A_30 = vector.shape_cast %broadcast_in_dim3A_25 : vector<16xf32> to vector<16xf32>
      tpu.vector_store %arg6[%swap3A], %swap3A_30 {strides = array<i32>} : memref<640xf32, #tpu.memory_space<vmem>>, vector<16xf32>,
    }
    %scan3A_4 = arith.constant 40 : i32
    %scan3A_5 = arith.constant 0 : i32
    %scan3A_6 = arith.constant 8 : i32
    %scan3A_7 = arith.addi %scan3A_5, %scan3A_6 : i32
    %scan3A_8 = arith.constant 1 : i32
    scf.for %scan3A_24 = %scan3A_5 to %scan3A_7 step %scan3A_8  : i32 {
      %broadcast_in_dim3A = arith.constant 1.000000e+00 : f32
      %broadcast_in_dim3A_25 = vector.broadcast %broadcast_in_dim3A : f32 to vector<16xf32>
      %mul3A_26 = arith.constant 16 : i32
      %mul3A_27 = arith.muli %scan3A_24, %mul3A_26 : i32
      %swap3A = arith.index_cast %mul3A_27 : i32 to index
      %swap3A_28 = tpu.vector_load %arg5[%swap3A] {strides = array<i32>} : memref<128xf32, #tpu.memory_space<vmem>>, vector<16xf32>,
      %swap3A_29 = vector.shape_cast %swap3A_28 : vector<16xf32> to vector<16xf32>
      %swap3A_30 = vector.shape_cast %broadcast_in_dim3A_25 : vector<16xf32> to vector<16xf32>
      tpu.vector_store %arg5[%swap3A], %swap3A_30 {strides = array<i32>} : memref<128xf32, #tpu.memory_space<vmem>>, vector<16xf32>,
    }
    %scan3A_9 = arith.constant 8 : i32
    %mul3A_10 = arith.constant 640 : i32
    %mul3A_11 = arith.muli %arg1, %mul3A_10 : i32
    "tpu.region"() ({
      %run_scoped3A = tpu.sem_alloc : memref<!tpu.dma_semaphore, #tpu.memory_space<semaphore_mem>>
      %dma_start3A = tpu.memref_slice %arg7[%mul3A_11] : memref<10240xf32, #tpu.memory_space<vmem_shared>> -> memref<640xf32, #tpu.memory_space<vmem_shared>>
      %dma_start3A_24 = tpu.memref_slice %arg7[%mul3A_11] : memref<10240xf32, #tpu.memory_space<vmem_shared>> -> memref<640xf32, #tpu.memory_space<vmem_shared>>
      tpu.enqueue_dma source(%arg6 : memref<640xf32, #tpu.memory_space<vmem>>) target(%dma_start3A_24 : memref<640xf32, #tpu.memory_space<vmem_shared>>) target_semaphore(%run_scoped3A : memref<!tpu.dma_semaphore, #tpu.memory_space<semaphore_mem>>)
      %dma_wait3A = tpu.memref_slice %arg7[%mul3A_11] : memref<10240xf32, #tpu.memory_space<vmem_shared>> -> memref<640xf32, #tpu.memory_space<vmem_shared>>
      %dma_wait3A_25 = tpu.memref_slice %arg7[%mul3A_11] : memref<10240xf32, #tpu.memory_space<vmem_shared>> -> memref<640xf32, #tpu.memory_space<vmem_shared>>
      tpu.wait_dma2 semaphore(%run_scoped3A : memref<!tpu.dma_semaphore, #tpu.memory_space<semaphore_mem>>) src(%arg6 : memref<640xf32, #tpu.memory_space<vmem>>) dst(%dma_wait3A_25 : memref<640xf32, #tpu.memory_space<vmem_shared>>)
      tpu.yield
    }) : () -> ()
    %mul3A_12 = arith.constant 80 : i32
    %mul3A_13 = arith.muli %add3A, %mul3A_12 : i32
    "tpu.region"() ({
      %run_scoped3A = tpu.sem_alloc : memref<!tpu.dma_semaphore, #tpu.memory_space<semaphore_mem>>
      %dma_start3A = arith.constant 0 : i32
      %dma_start3A_24 = tpu.memref_slice %arg2[%mul3A_13, %dma_start3A] : memref<2560x128xi32, #tpu.memory_space<hbm>> -> memref<80x128xi32, #tpu.memory_space<hbm>>
      %dma_start3A_25 = arith.constant 0 : i32
      %dma_start3A_26 = tpu.memref_slice %arg2[%mul3A_13, %dma_start3A_25] : memref<2560x128xi32, #tpu.memory_space<hbm>> -> memref<80x128xi32, #tpu.memory_space<hbm>>
      tpu.enqueue_dma source(%dma_start3A_26 : memref<80x128xi32, #tpu.memory_space<hbm>>) target(%arg4 : memref<80x128xi32, #tpu.memory_space<vmem>>) target_semaphore(%run_scoped3A : memref<!tpu.dma_semaphore, #tpu.memory_space<semaphore_mem>>)
      %dma_wait3A = arith.constant 0 : i32
      %dma_wait3A_27 = tpu.memref_slice %arg2[%mul3A_13, %dma_wait3A] : memref<2560x128xi32, #tpu.memory_space<hbm>> -> memref<80x128xi32, #tpu.memory_space<hbm>>
      %dma_wait3A_28 = arith.constant 0 : i32
      %dma_wait3A_29 = tpu.memref_slice %arg2[%mul3A_13, %dma_wait3A_28] : memref<2560x128xi32, #tpu.memory_space<hbm>> -> memref<80x128xi32, #tpu.memory_space<hbm>>
      tpu.wait_dma2 semaphore(%run_scoped3A : memref<!tpu.dma_semaphore, #tpu.memory_space<semaphore_mem>>) src(%dma_wait3A_29 : memref<80x128xi32, #tpu.memory_space<hbm>>) dst(%arg4 : memref<80x128xi32, #tpu.memory_space<vmem>>)
      tpu.yield
    }) : () -> ()
    %barrier3A = arith.constant 0 : index
    tpu.barrier barrier_id(%barrier3A)
    %scan3A_14 = arith.constant 0 : i32
    %scan3A_15 = arith.constant 80 : i32
    %scan3A_16 = arith.addi %scan3A_14, %scan3A_15 : i32
    %scan3A_17 = arith.constant 1 : i32
    scf.for %scan3A_24 = %scan3A_14 to %scan3A_16 step %scan3A_17  : i32 {
      "tpu.region"() ({
        %run_scoped3A = tpu.sem_alloc : memref<!tpu.dma_semaphore, #tpu.memory_space<semaphore_mem>>
        %dma_start3A = arith.constant 0 : i32
        %dma_start3A_25 = tpu.memref_slice %arg4[%scan3A_24, %dma_start3A] : memref<80x128xi32, #tpu.memory_space<vmem>> -> memref<1x128xi32, #tpu.memory_space<vmem>>
        %dma_start3A_26 = tpu.memref_squeeze %dma_start3A_25 : memref<1x128xi32, #tpu.memory_space<vmem>> -> memref<128xi32, #tpu.memory_space<vmem>>
        %dma_start3A_27 = arith.constant 0 : i32
        %dma_start3A_28 = tpu.memref_slice %arg7[%dma_start3A_27] : memref<10240xf32, #tpu.memory_space<vmem_shared>> -> memref<10240xf32, #tpu.memory_space<vmem_shared>>
        tpu.enqueue_indirect_dma source(%arg5 : memref<128xf32, #tpu.memory_space<vmem>>) target(%dma_start3A_28 : memref<10240xf32, #tpu.memory_space<vmem_shared>>) offsets(%dma_start3A_26 : memref<128xi32, #tpu.memory_space<vmem>>) semaphore(%run_scoped3A : memref<!tpu.dma_semaphore, #tpu.memory_space<semaphore_mem>>) {add = true}
        %dma_wait3A = arith.constant 0 : i32
        %dma_wait3A_29 = tpu.memref_slice %arg4[%scan3A_24, %dma_wait3A] : memref<80x128xi32, #tpu.memory_space<vmem>> -> memref<1x128xi32, #tpu.memory_space<vmem>>
        %dma_wait3A_30 = tpu.memref_squeeze %dma_wait3A_29 : memref<1x128xi32, #tpu.memory_space<vmem>> -> memref<128xi32, #tpu.memory_space<vmem>>
        %dma_wait3A_31 = arith.constant 0 : i32
        %dma_wait3A_32 = tpu.memref_slice %arg7[%dma_wait3A_31] : memref<10240xf32, #tpu.memory_space<vmem_shared>> -> memref<10240xf32, #tpu.memory_space<vmem_shared>>
        tpu.wait_indirect_dma semaphore(%run_scoped3A : memref<!tpu.dma_semaphore, #tpu.memory_space<semaphore_mem>>) src(%arg5 : memref<128xf32, #tpu.memory_space<vmem>>) dst(%dma_wait3A_32 : memref<10240xf32, #tpu.memory_space<vmem_shared>>)
        tpu.yield
      }) : () -> ()
    }
    %scan3A_18 = arith.constant 80 : i32
    %barrier3A_19 = arith.constant 0 : index
    tpu.barrier barrier_id(%barrier3A_19)
    %mul3A_20 = arith.constant 640 : i32
    %mul3A_21 = arith.muli %arg1, %mul3A_20 : i32
    %mul3A_22 = arith.constant 640 : i32
    %mul3A_23 = arith.muli %arg1, %mul3A_22 : i32
    "tpu.region"() ({
      %run_scoped3A = tpu.sem_alloc : memref<!tpu.dma_semaphore, #tpu.memory_space<semaphore_mem>>
      %dma_start3A = tpu.memref_slice %arg3[%arg0, %mul3A_23] : memref<2x10240xf32, #tpu.memory_space<hbm>> -> memref<1x640xf32, #tpu.memory_space<hbm>>
      %dma_start3A_24 = tpu.memref_squeeze %dma_start3A : memref<1x640xf32, #tpu.memory_space<hbm>> -> memref<640xf32, #tpu.memory_space<hbm>>
      %dma_start3A_25 = tpu.memref_slice %arg7[%mul3A_21] : memref<10240xf32, #tpu.memory_space<vmem_shared>> -> memref<640xf32, #tpu.memory_space<vmem_shared>>
      tpu.enqueue_dma source(%dma_start3A_25 : memref<640xf32, #tpu.memory_space<vmem_shared>>) target(%dma_start3A_24 : memref<640xf32, #tpu.memory_space<hbm>>) target_semaphore(%run_scoped3A : memref<!tpu.dma_semaphore, #tpu.memory_space<semaphore_mem>>)
      %dma_wait3A = tpu.memref_slice %arg3[%arg0, %mul3A_23] : memref<2x10240xf32, #tpu.memory_space<hbm>> -> memref<1x640xf32, #tpu.memory_space<hbm>>
      %dma_wait3A_26 = tpu.memref_squeeze %dma_wait3A : memref<1x640xf32, #tpu.memory_space<hbm>> -> memref<640xf32, #tpu.memory_space<hbm>>
      %dma_wait3A_27 = tpu.memref_slice %arg7[%mul3A_21] : memref<10240xf32, #tpu.memory_space<vmem_shared>> -> memref<640xf32, #tpu.memory_space<vmem_shared>>
      tpu.wait_dma2 semaphore(%run_scoped3A : memref<!tpu.dma_semaphore, #tpu.memory_space<semaphore_mem>>) src(%dma_wait3A_27 : memref<640xf32, #tpu.memory_space<vmem_shared>>) dst(%dma_wait3A_26 : memref<640xf32, #tpu.memory_space<hbm>>)
      tpu.yield
    }) : () -> ()
    return
  }
}

#map = affine_map<(d0, d1) -> (0, 0)>
#map1 = affine_map<(d0, d1) -> (0, 0, 0)>
module attributes {stable_mosaic.version = 14 : i64} {
  func.func @_agg(%arg0: i32, %arg1: i32, %arg2: memref<10240x8xf32, #tpu.memory_space<hbm>>, %arg3: memref<2560x128xi32, #tpu.memory_space<hbm>>, %arg4: memref<2560x128xi32, #tpu.memory_space<hbm>>, %arg5: memref<640x8xf32, #tpu.memory_space<hbm>>, %arg6: memref<2x10240x8xf32, #tpu.memory_space<hbm>>, %arg7: memref<80x128xi32, #tpu.memory_space<vmem>>, %arg8: memref<80x128xi32, #tpu.memory_space<vmem>>, %arg9: memref<128x8xf32, #tpu.memory_space<vmem>>, %arg10: memref<128x8xf32, #tpu.memory_space<vmem>>, %arg11: memref<10240x8xf32, #tpu.memory_space<vmem_shared>>, %arg12: memref<!tpu.dma_semaphore, #tpu.memory_space<semaphore_mem>>, %arg13: memref<!tpu.dma_semaphore, #tpu.memory_space<semaphore_mem>>) attributes {dimension_semantics = [#tpu.dimension_semantics<core_parallel>, #tpu.dimension_semantics<subcore_parallel>], iteration_bounds = array<i64: 2, 16>, scalar_prefetch = 0 : i64, scratch_operands = 7 : i64, tpu.core_type = #tpu.core_type<sc_vector_subcore>, window_params = [{transform_indices = #map}, {transform_indices = #map}, {transform_indices = #map}, {transform_indices = #map}, {transform_indices = #map1}]} {
    %mul3A = arith.constant 2 : i32
    %mul3A_0 = arith.muli %arg1, %mul3A : i32
    %add3A = arith.addi %mul3A_0, %arg0 : i32
    %eq3A = arith.constant 0 : i32
    %eq3A_1 = arith.cmpi eq, %arg0, %eq3A : i32
    %convert_element_type3A = arith.extui %eq3A_1 : i1 to i32
    %cond3A = arith.constant 0 : i32
    %cond3A_2 = arith.cmpi ne, %convert_element_type3A, %cond3A : i32
    scf.if %cond3A_2 {
      %mul3A_33 = arith.constant 640 : i32
      %mul3A_34 = arith.muli %arg1, %mul3A_33 : i32
      %mul3A_35 = arith.constant 640 : i32
      %mul3A_36 = arith.muli %arg1, %mul3A_35 : i32
      "tpu.region"() ({
        %run_scoped3A = tpu.sem_alloc : memref<!tpu.dma_semaphore, #tpu.memory_space<semaphore_mem>>
        %dma_start3A_37 = arith.constant 0 : i32
        %dma_start3A_38 = tpu.memref_slice %arg11[%mul3A_36, %dma_start3A_37] : memref<10240x8xf32, #tpu.memory_space<vmem_shared>> -> memref<640x8xf32, #tpu.memory_space<vmem_shared>>
        %dma_start3A_39 = arith.constant 0 : i32
        %dma_start3A_40 = tpu.memref_slice %arg2[%mul3A_34, %dma_start3A_39] : memref<10240x8xf32, #tpu.memory_space<hbm>> -> memref<640x8xf32, #tpu.memory_space<hbm>>
        tpu.enqueue_dma source(%dma_start3A_40 : memref<640x8xf32, #tpu.memory_space<hbm>>) target(%dma_start3A_38 : memref<640x8xf32, #tpu.memory_space<vmem_shared>>) target_semaphore(%run_scoped3A : memref<!tpu.dma_semaphore, #tpu.memory_space<semaphore_mem>>)
        %dma_wait3A = arith.constant 0 : i32
        %dma_wait3A_41 = tpu.memref_slice %arg11[%mul3A_36, %dma_wait3A] : memref<10240x8xf32, #tpu.memory_space<vmem_shared>> -> memref<640x8xf32, #tpu.memory_space<vmem_shared>>
        %dma_wait3A_42 = arith.constant 0 : i32
        %dma_wait3A_43 = tpu.memref_slice %arg2[%mul3A_34, %dma_wait3A_42] : memref<10240x8xf32, #tpu.memory_space<hbm>> -> memref<640x8xf32, #tpu.memory_space<hbm>>
        tpu.wait_dma2 semaphore(%run_scoped3A : memref<!tpu.dma_semaphore, #tpu.memory_space<semaphore_mem>>) src(%dma_wait3A_43 : memref<640x8xf32, #tpu.memory_space<hbm>>) dst(%dma_wait3A_41 : memref<640x8xf32, #tpu.memory_space<vmem_shared>>)
        tpu.yield
      }) : () -> ()
    } else {
    }
    %ne3A = arith.constant 0 : i32
    %ne3A_3 = arith.cmpi ne, %arg0, %ne3A : i32
    %convert_element_type3A_4 = arith.extui %ne3A_3 : i1 to i32
    %cond3A_5 = arith.constant 0 : i32
    %cond3A_6 = arith.cmpi ne, %convert_element_type3A_4, %cond3A_5 : i32
    scf.if %cond3A_6 {
      %mul3A_33 = arith.constant 640 : i32
      %mul3A_34 = arith.muli %arg1, %mul3A_33 : i32
      "tpu.region"() ({
        %run_scoped3A = tpu.sem_alloc : memref<!tpu.dma_semaphore, #tpu.memory_space<semaphore_mem>>
        %dma_start3A_35 = arith.constant 0 : i32
        %dma_start3A_36 = tpu.memref_slice %arg11[%mul3A_34, %dma_start3A_35] : memref<10240x8xf32, #tpu.memory_space<vmem_shared>> -> memref<640x8xf32, #tpu.memory_space<vmem_shared>>
        tpu.enqueue_dma source(%arg5 : memref<640x8xf32, #tpu.memory_space<hbm>>) target(%dma_start3A_36 : memref<640x8xf32, #tpu.memory_space<vmem_shared>>) target_semaphore(%run_scoped3A : memref<!tpu.dma_semaphore, #tpu.memory_space<semaphore_mem>>)
        %dma_wait3A = arith.constant 0 : i32
        %dma_wait3A_37 = tpu.memref_slice %arg11[%mul3A_34, %dma_wait3A] : memref<10240x8xf32, #tpu.memory_space<vmem_shared>> -> memref<640x8xf32, #tpu.memory_space<vmem_shared>>
        tpu.wait_dma2 semaphore(%run_scoped3A : memref<!tpu.dma_semaphore, #tpu.memory_space<semaphore_mem>>) src(%arg5 : memref<640x8xf32, #tpu.memory_space<hbm>>) dst(%dma_wait3A_37 : memref<640x8xf32, #tpu.memory_space<vmem_shared>>)
        tpu.yield
      }) : () -> ()
    } else {
    }
    %mul3A_7 = arith.constant 80 : i32
    %mul3A_8 = arith.muli %add3A, %mul3A_7 : i32
    "tpu.region"() ({
      %run_scoped3A = tpu.sem_alloc : memref<!tpu.dma_semaphore, #tpu.memory_space<semaphore_mem>>
      %dma_start3A_33 = arith.constant 0 : i32
      %dma_start3A_34 = tpu.memref_slice %arg3[%mul3A_8, %dma_start3A_33] : memref<2560x128xi32, #tpu.memory_space<hbm>> -> memref<80x128xi32, #tpu.memory_space<hbm>>
      %dma_start3A_35 = arith.constant 0 : i32
      %dma_start3A_36 = tpu.memref_slice %arg3[%mul3A_8, %dma_start3A_35] : memref<2560x128xi32, #tpu.memory_space<hbm>> -> memref<80x128xi32, #tpu.memory_space<hbm>>
      tpu.enqueue_dma source(%dma_start3A_36 : memref<80x128xi32, #tpu.memory_space<hbm>>) target(%arg7 : memref<80x128xi32, #tpu.memory_space<vmem>>) target_semaphore(%run_scoped3A : memref<!tpu.dma_semaphore, #tpu.memory_space<semaphore_mem>>)
      %dma_wait3A = arith.constant 0 : i32
      %dma_wait3A_37 = tpu.memref_slice %arg3[%mul3A_8, %dma_wait3A] : memref<2560x128xi32, #tpu.memory_space<hbm>> -> memref<80x128xi32, #tpu.memory_space<hbm>>
      %dma_wait3A_38 = arith.constant 0 : i32
      %dma_wait3A_39 = tpu.memref_slice %arg3[%mul3A_8, %dma_wait3A_38] : memref<2560x128xi32, #tpu.memory_space<hbm>> -> memref<80x128xi32, #tpu.memory_space<hbm>>
      tpu.wait_dma2 semaphore(%run_scoped3A : memref<!tpu.dma_semaphore, #tpu.memory_space<semaphore_mem>>) src(%dma_wait3A_39 : memref<80x128xi32, #tpu.memory_space<hbm>>) dst(%arg7 : memref<80x128xi32, #tpu.memory_space<vmem>>)
      tpu.yield
    }) : () -> ()
    %mul3A_9 = arith.constant 80 : i32
    %mul3A_10 = arith.muli %add3A, %mul3A_9 : i32
    "tpu.region"() ({
      %run_scoped3A = tpu.sem_alloc : memref<!tpu.dma_semaphore, #tpu.memory_space<semaphore_mem>>
      %dma_start3A_33 = arith.constant 0 : i32
      %dma_start3A_34 = tpu.memref_slice %arg4[%mul3A_10, %dma_start3A_33] : memref<2560x128xi32, #tpu.memory_space<hbm>> -> memref<80x128xi32, #tpu.memory_space<hbm>>
      %dma_start3A_35 = arith.constant 0 : i32
      %dma_start3A_36 = tpu.memref_slice %arg4[%mul3A_10, %dma_start3A_35] : memref<2560x128xi32, #tpu.memory_space<hbm>> -> memref<80x128xi32, #tpu.memory_space<hbm>>
      tpu.enqueue_dma source(%dma_start3A_36 : memref<80x128xi32, #tpu.memory_space<hbm>>) target(%arg8 : memref<80x128xi32, #tpu.memory_space<vmem>>) target_semaphore(%run_scoped3A : memref<!tpu.dma_semaphore, #tpu.memory_space<semaphore_mem>>)
      %dma_wait3A = arith.constant 0 : i32
      %dma_wait3A_37 = tpu.memref_slice %arg4[%mul3A_10, %dma_wait3A] : memref<2560x128xi32, #tpu.memory_space<hbm>> -> memref<80x128xi32, #tpu.memory_space<hbm>>
      %dma_wait3A_38 = arith.constant 0 : i32
      %dma_wait3A_39 = tpu.memref_slice %arg4[%mul3A_10, %dma_wait3A_38] : memref<2560x128xi32, #tpu.memory_space<hbm>> -> memref<80x128xi32, #tpu.memory_space<hbm>>
      tpu.wait_dma2 semaphore(%run_scoped3A : memref<!tpu.dma_semaphore, #tpu.memory_space<semaphore_mem>>) src(%dma_wait3A_39 : memref<80x128xi32, #tpu.memory_space<hbm>>) dst(%arg8 : memref<80x128xi32, #tpu.memory_space<vmem>>)
      tpu.yield
    }) : () -> ()
    %barrier3A = arith.constant 0 : index
    tpu.barrier barrier_id(%barrier3A)
    %dma_start3A = arith.constant 0 : i32
    %dma_start3A_11 = arith.constant 0 : i32
    %dma_start3A_12 = tpu.memref_slice %arg7[%dma_start3A, %dma_start3A_11] : memref<80x128xi32, #tpu.memory_space<vmem>> -> memref<1x128xi32, #tpu.memory_space<vmem>>
    %dma_start3A_13 = tpu.memref_squeeze %dma_start3A_12 : memref<1x128xi32, #tpu.memory_space<vmem>> -> memref<128xi32, #tpu.memory_space<vmem>>
    %dma_start3A_14 = arith.constant 0 : i32
    %dma_start3A_15 = arith.constant 0 : i32
    %dma_start3A_16 = tpu.memref_slice %arg2[%dma_start3A_14, %dma_start3A_15] : memref<10240x8xf32, #tpu.memory_space<hbm>> -> memref<10240x8xf32, #tpu.memory_space<hbm>>
    tpu.enqueue_indirect_dma source(%dma_start3A_16 : memref<10240x8xf32, #tpu.memory_space<hbm>>) target(%arg9 : memref<128x8xf32, #tpu.memory_space<vmem>>) offsets(%dma_start3A_13 : memref<128xi32, #tpu.memory_space<vmem>>) semaphore(%arg12 : memref<!tpu.dma_semaphore, #tpu.memory_space<semaphore_mem>>)
    %dma_start3A_17 = arith.constant 1 : i32
    %dma_start3A_18 = arith.constant 0 : i32
    %dma_start3A_19 = tpu.memref_slice %arg7[%dma_start3A_17, %dma_start3A_18] : memref<80x128xi32, #tpu.memory_space<vmem>> -> memref<1x128xi32, #tpu.memory_space<vmem>>
    %dma_start3A_20 = tpu.memref_squeeze %dma_start3A_19 : memref<1x128xi32, #tpu.memory_space<vmem>> -> memref<128xi32, #tpu.memory_space<vmem>>
    %dma_start3A_21 = arith.constant 0 : i32
    %dma_start3A_22 = arith.constant 0 : i32
    %dma_start3A_23 = tpu.memref_slice %arg2[%dma_start3A_21, %dma_start3A_22] : memref<10240x8xf32, #tpu.memory_space<hbm>> -> memref<10240x8xf32, #tpu.memory_space<hbm>>
    tpu.enqueue_indirect_dma source(%dma_start3A_23 : memref<10240x8xf32, #tpu.memory_space<hbm>>) target(%arg10 : memref<128x8xf32, #tpu.memory_space<vmem>>) offsets(%dma_start3A_20 : memref<128xi32, #tpu.memory_space<vmem>>) semaphore(%arg13 : memref<!tpu.dma_semaphore, #tpu.memory_space<semaphore_mem>>)
    %scan3A = arith.constant 0 : i32
    %scan3A_24 = arith.constant 40 : i32
    %scan3A_25 = arith.addi %scan3A, %scan3A_24 : i32
    %scan3A_26 = arith.constant 1 : i32
    scf.for %scan3A_33 = %scan3A to %scan3A_25 step %scan3A_26  : i32 {
      %dma_wait3A = arith.constant 0 : i32
      %dma_wait3A_34 = arith.constant 0 : i32
      %dma_wait3A_35 = tpu.memref_slice %arg7[%dma_wait3A, %dma_wait3A_34] : memref<80x128xi32, #tpu.memory_space<vmem>> -> memref<1x128xi32, #tpu.memory_space<vmem>>
      %dma_wait3A_36 = tpu.memref_squeeze %dma_wait3A_35 : memref<1x128xi32, #tpu.memory_space<vmem>> -> memref<128xi32, #tpu.memory_space<vmem>>
      %dma_wait3A_37 = arith.constant 0 : i32
      %dma_wait3A_38 = arith.constant 0 : i32
      %dma_wait3A_39 = tpu.memref_slice %arg2[%dma_wait3A_37, %dma_wait3A_38] : memref<10240x8xf32, #tpu.memory_space<hbm>> -> memref<10240x8xf32, #tpu.memory_space<hbm>>
      tpu.wait_indirect_dma semaphore(%arg12 : memref<!tpu.dma_semaphore, #tpu.memory_space<semaphore_mem>>) src(%dma_wait3A_39 : memref<10240x8xf32, #tpu.memory_space<hbm>>) dst(%arg9 : memref<128x8xf32, #tpu.memory_space<vmem>>)
      %mul3A_40 = arith.constant 2 : i32
      %mul3A_41 = arith.muli %mul3A_40, %scan3A_33 : i32
      "tpu.region"() ({
        %run_scoped3A = tpu.sem_alloc : memref<!tpu.dma_semaphore, #tpu.memory_space<semaphore_mem>>
        %dma_start3A_62 = arith.constant 0 : i32
        %dma_start3A_63 = tpu.memref_slice %arg8[%mul3A_41, %dma_start3A_62] : memref<80x128xi32, #tpu.memory_space<vmem>> -> memref<1x128xi32, #tpu.memory_space<vmem>>
        %dma_start3A_64 = tpu.memref_squeeze %dma_start3A_63 : memref<1x128xi32, #tpu.memory_space<vmem>> -> memref<128xi32, #tpu.memory_space<vmem>>
        %dma_start3A_65 = arith.constant 0 : i32
        %dma_start3A_66 = arith.constant 0 : i32
        %dma_start3A_67 = tpu.memref_slice %arg11[%dma_start3A_65, %dma_start3A_66] : memref<10240x8xf32, #tpu.memory_space<vmem_shared>> -> memref<10240x8xf32, #tpu.memory_space<vmem_shared>>
        tpu.enqueue_indirect_dma source(%arg9 : memref<128x8xf32, #tpu.memory_space<vmem>>) target(%dma_start3A_67 : memref<10240x8xf32, #tpu.memory_space<vmem_shared>>) offsets(%dma_start3A_64 : memref<128xi32, #tpu.memory_space<vmem>>) semaphore(%run_scoped3A : memref<!tpu.dma_semaphore, #tpu.memory_space<semaphore_mem>>) {add = true}
        %dma_wait3A_68 = arith.constant 0 : i32
        %dma_wait3A_69 = tpu.memref_slice %arg8[%mul3A_41, %dma_wait3A_68] : memref<80x128xi32, #tpu.memory_space<vmem>> -> memref<1x128xi32, #tpu.memory_space<vmem>>
        %dma_wait3A_70 = tpu.memref_squeeze %dma_wait3A_69 : memref<1x128xi32, #tpu.memory_space<vmem>> -> memref<128xi32, #tpu.memory_space<vmem>>
        %dma_wait3A_71 = arith.constant 0 : i32
        %dma_wait3A_72 = arith.constant 0 : i32
        %dma_wait3A_73 = tpu.memref_slice %arg11[%dma_wait3A_71, %dma_wait3A_72] : memref<10240x8xf32, #tpu.memory_space<vmem_shared>> -> memref<10240x8xf32, #tpu.memory_space<vmem_shared>>
        tpu.wait_indirect_dma semaphore(%run_scoped3A : memref<!tpu.dma_semaphore, #tpu.memory_space<semaphore_mem>>) src(%arg9 : memref<128x8xf32, #tpu.memory_space<vmem>>) dst(%dma_wait3A_73 : memref<10240x8xf32, #tpu.memory_space<vmem_shared>>)
        tpu.yield
      }) : () -> ()
      %lt3A = arith.constant 39 : i32
      %lt3A_42 = arith.cmpi slt, %scan3A_33, %lt3A : i32
      %convert_element_type3A_43 = arith.extui %lt3A_42 : i1 to i32
      %cond3A_44 = arith.constant 0 : i32
      %cond3A_45 = arith.cmpi ne, %convert_element_type3A_43, %cond3A_44 : i32
      scf.if %cond3A_45 {
        %mul3A_62 = arith.constant 2 : i32
        %mul3A_63 = arith.muli %mul3A_62, %scan3A_33 : i32
        %add3A_64 = arith.constant 2 : i32
        %add3A_65 = arith.addi %mul3A_63, %add3A_64 : i32
        %dma_start3A_66 = arith.constant 0 : i32
        %dma_start3A_67 = tpu.memref_slice %arg7[%add3A_65, %dma_start3A_66] : memref<80x128xi32, #tpu.memory_space<vmem>> -> memref<1x128xi32, #tpu.memory_space<vmem>>
        %dma_start3A_68 = tpu.memref_squeeze %dma_start3A_67 : memref<1x128xi32, #tpu.memory_space<vmem>> -> memref<128xi32, #tpu.memory_space<vmem>>
        %dma_start3A_69 = arith.constant 0 : i32
        %dma_start3A_70 = arith.constant 0 : i32
        %dma_start3A_71 = tpu.memref_slice %arg2[%dma_start3A_69, %dma_start3A_70] : memref<10240x8xf32, #tpu.memory_space<hbm>> -> memref<10240x8xf32, #tpu.memory_space<hbm>>
        tpu.enqueue_indirect_dma source(%dma_start3A_71 : memref<10240x8xf32, #tpu.memory_space<hbm>>) target(%arg9 : memref<128x8xf32, #tpu.memory_space<vmem>>) offsets(%dma_start3A_68 : memref<128xi32, #tpu.memory_space<vmem>>) semaphore(%arg12 : memref<!tpu.dma_semaphore, #tpu.memory_space<semaphore_mem>>)
      } else {
      }
      %dma_wait3A_46 = arith.constant 0 : i32
      %dma_wait3A_47 = arith.constant 0 : i32
      %dma_wait3A_48 = tpu.memref_slice %arg7[%dma_wait3A_46, %dma_wait3A_47] : memref<80x128xi32, #tpu.memory_space<vmem>> -> memref<1x128xi32, #tpu.memory_space<vmem>>
      %dma_wait3A_49 = tpu.memref_squeeze %dma_wait3A_48 : memref<1x128xi32, #tpu.memory_space<vmem>> -> memref<128xi32, #tpu.memory_space<vmem>>
      %dma_wait3A_50 = arith.constant 0 : i32
      %dma_wait3A_51 = arith.constant 0 : i32
      %dma_wait3A_52 = tpu.memref_slice %arg2[%dma_wait3A_50, %dma_wait3A_51] : memref<10240x8xf32, #tpu.memory_space<hbm>> -> memref<10240x8xf32, #tpu.memory_space<hbm>>
      tpu.wait_indirect_dma semaphore(%arg13 : memref<!tpu.dma_semaphore, #tpu.memory_space<semaphore_mem>>) src(%dma_wait3A_52 : memref<10240x8xf32, #tpu.memory_space<hbm>>) dst(%arg10 : memref<128x8xf32, #tpu.memory_space<vmem>>)
      %mul3A_53 = arith.constant 2 : i32
      %mul3A_54 = arith.muli %mul3A_53, %scan3A_33 : i32
      %add3A_55 = arith.constant 1 : i32
      %add3A_56 = arith.addi %mul3A_54, %add3A_55 : i32
      "tpu.region"() ({
        %run_scoped3A = tpu.sem_alloc : memref<!tpu.dma_semaphore, #tpu.memory_space<semaphore_mem>>
        %dma_start3A_62 = arith.constant 0 : i32
        %dma_start3A_63 = tpu.memref_slice %arg8[%add3A_56, %dma_start3A_62] : memref<80x128xi32, #tpu.memory_space<vmem>> -> memref<1x128xi32, #tpu.memory_space<vmem>>
        %dma_start3A_64 = tpu.memref_squeeze %dma_start3A_63 : memref<1x128xi32, #tpu.memory_space<vmem>> -> memref<128xi32, #tpu.memory_space<vmem>>
        %dma_start3A_65 = arith.constant 0 : i32
        %dma_start3A_66 = arith.constant 0 : i32
        %dma_start3A_67 = tpu.memref_slice %arg11[%dma_start3A_65, %dma_start3A_66] : memref<10240x8xf32, #tpu.memory_space<vmem_shared>> -> memref<10240x8xf32, #tpu.memory_space<vmem_shared>>
        tpu.enqueue_indirect_dma source(%arg10 : memref<128x8xf32, #tpu.memory_space<vmem>>) target(%dma_start3A_67 : memref<10240x8xf32, #tpu.memory_space<vmem_shared>>) offsets(%dma_start3A_64 : memref<128xi32, #tpu.memory_space<vmem>>) semaphore(%run_scoped3A : memref<!tpu.dma_semaphore, #tpu.memory_space<semaphore_mem>>) {add = true}
        %dma_wait3A_68 = arith.constant 0 : i32
        %dma_wait3A_69 = tpu.memref_slice %arg8[%add3A_56, %dma_wait3A_68] : memref<80x128xi32, #tpu.memory_space<vmem>> -> memref<1x128xi32, #tpu.memory_space<vmem>>
        %dma_wait3A_70 = tpu.memref_squeeze %dma_wait3A_69 : memref<1x128xi32, #tpu.memory_space<vmem>> -> memref<128xi32, #tpu.memory_space<vmem>>
        %dma_wait3A_71 = arith.constant 0 : i32
        %dma_wait3A_72 = arith.constant 0 : i32
        %dma_wait3A_73 = tpu.memref_slice %arg11[%dma_wait3A_71, %dma_wait3A_72] : memref<10240x8xf32, #tpu.memory_space<vmem_shared>> -> memref<10240x8xf32, #tpu.memory_space<vmem_shared>>
        tpu.wait_indirect_dma semaphore(%run_scoped3A : memref<!tpu.dma_semaphore, #tpu.memory_space<semaphore_mem>>) src(%arg10 : memref<128x8xf32, #tpu.memory_space<vmem>>) dst(%dma_wait3A_73 : memref<10240x8xf32, #tpu.memory_space<vmem_shared>>)
        tpu.yield
      }) : () -> ()
      %lt3A_57 = arith.constant 39 : i32
      %lt3A_58 = arith.cmpi slt, %scan3A_33, %lt3A_57 : i32
      %convert_element_type3A_59 = arith.extui %lt3A_58 : i1 to i32
      %cond3A_60 = arith.constant 0 : i32
      %cond3A_61 = arith.cmpi ne, %convert_element_type3A_59, %cond3A_60 : i32
      scf.if %cond3A_61 {
        %mul3A_62 = arith.constant 2 : i32
        %mul3A_63 = arith.muli %mul3A_62, %scan3A_33 : i32
        %add3A_64 = arith.constant 3 : i32
        %add3A_65 = arith.addi %mul3A_63, %add3A_64 : i32
        %dma_start3A_66 = arith.constant 0 : i32
        %dma_start3A_67 = tpu.memref_slice %arg7[%add3A_65, %dma_start3A_66] : memref<80x128xi32, #tpu.memory_space<vmem>> -> memref<1x128xi32, #tpu.memory_space<vmem>>
        %dma_start3A_68 = tpu.memref_squeeze %dma_start3A_67 : memref<1x128xi32, #tpu.memory_space<vmem>> -> memref<128xi32, #tpu.memory_space<vmem>>
        %dma_start3A_69 = arith.constant 0 : i32
        %dma_start3A_70 = arith.constant 0 : i32
        %dma_start3A_71 = tpu.memref_slice %arg2[%dma_start3A_69, %dma_start3A_70] : memref<10240x8xf32, #tpu.memory_space<hbm>> -> memref<10240x8xf32, #tpu.memory_space<hbm>>
        tpu.enqueue_indirect_dma source(%dma_start3A_71 : memref<10240x8xf32, #tpu.memory_space<hbm>>) target(%arg10 : memref<128x8xf32, #tpu.memory_space<vmem>>) offsets(%dma_start3A_68 : memref<128xi32, #tpu.memory_space<vmem>>) semaphore(%arg13 : memref<!tpu.dma_semaphore, #tpu.memory_space<semaphore_mem>>)
      } else {
      }
    }
    %scan3A_27 = arith.constant 40 : i32
    %barrier3A_28 = arith.constant 0 : index
    tpu.barrier barrier_id(%barrier3A_28)
    %mul3A_29 = arith.constant 640 : i32
    %mul3A_30 = arith.muli %arg1, %mul3A_29 : i32
    %mul3A_31 = arith.constant 640 : i32
    %mul3A_32 = arith.muli %arg1, %mul3A_31 : i32
    "tpu.region"() ({
      %run_scoped3A = tpu.sem_alloc : memref<!tpu.dma_semaphore, #tpu.memory_space<semaphore_mem>>
      %dma_start3A_33 = arith.constant 0 : i32
      %dma_start3A_34 = tpu.memref_slice %arg6[%arg0, %mul3A_32, %dma_start3A_33] : memref<2x10240x8xf32, #tpu.memory_space<hbm>> -> memref<1x640x8xf32, #tpu.memory_space<hbm>>
      %dma_start3A_35 = tpu.memref_squeeze %dma_start3A_34 : memref<1x640x8xf32, #tpu.memory_space<hbm>> -> memref<640x8xf32, #tpu.memory_space<hbm>>
      %dma_start3A_36 = arith.constant 0 : i32
      %dma_start3A_37 = tpu.memref_slice %arg11[%mul3A_30, %dma_start3A_36] : memref<10240x8xf32, #tpu.memory_space<vmem_shared>> -> memref<640x8xf32, #tpu.memory_space<vmem_shared>>
      tpu.enqueue_dma source(%dma_start3A_37 : memref<640x8xf32, #tpu.memory_space<vmem_shared>>) target(%dma_start3A_35 : memref<640x8xf32, #tpu.memory_space<hbm>>) target_semaphore(%run_scoped3A : memref<!tpu.dma_semaphore, #tpu.memory_space<semaphore_mem>>)
      %dma_wait3A = arith.constant 0 : i32
      %dma_wait3A_38 = tpu.memref_slice %arg6[%arg0, %mul3A_32, %dma_wait3A] : memref<2x10240x8xf32, #tpu.memory_space<hbm>> -> memref<1x640x8xf32, #tpu.memory_space<hbm>>
      %dma_wait3A_39 = tpu.memref_squeeze %dma_wait3A_38 : memref<1x640x8xf32, #tpu.memory_space<hbm>> -> memref<640x8xf32, #tpu.memory_space<hbm>>
      %dma_wait3A_40 = arith.constant 0 : i32
      %dma_wait3A_41 = tpu.memref_slice %arg11[%mul3A_30, %dma_wait3A_40] : memref<10240x8xf32, #tpu.memory_space<vmem_shared>> -> memref<640x8xf32, #tpu.memory_space<vmem_shared>>
      tpu.wait_dma2 semaphore(%run_scoped3A : memref<!tpu.dma_semaphore, #tpu.memory_space<semaphore_mem>>) src(%dma_wait3A_41 : memref<640x8xf32, #tpu.memory_space<vmem_shared>>) dst(%dma_wait3A_39 : memref<640x8xf32, #tpu.memory_space<hbm>>)
      tpu.yield
    }) : () -> ()
    return
  }
}

module attributes {stable_mosaic.version = 14 : i64} {
  func.func @_p1a_body(%arg0: memref<10000x128xf32, #tpu.memory_space<vmem>>, %arg1: memref<128x32xf32, #tpu.memory_space<vmem>>, %arg2: memref<10000x32xf32, #tpu.memory_space<vmem>>) attributes {dimension_semantics = [], scalar_prefetch = 0 : i64, scratch_operands = 0 : i64, tpu.core_type = #tpu.core_type<tc>} {
    %get3A = arith.constant 0 : index
    %get3A_0 = arith.constant 0 : index
    %get3A_1 = vector.load %arg0[%get3A, %get3A_0] : memref<10000x128xf32, #tpu.memory_space<vmem>>, vector<10000x128xf32>
    %get3A_2 = arith.constant 0 : index
    %get3A_3 = arith.constant 0 : index
    %get3A_4 = vector.load %arg1[%get3A_2, %get3A_3] : memref<128x32xf32, #tpu.memory_space<vmem>>, vector<128x32xf32>
    %dot_general3A = arith.constant dense<0.000000e+00> : vector<10000x32xf32>
    %dot_general3A_5 = tpu.matmul %get3A_1, %get3A_4, %dot_general3A {dimension_numbers = #tpu.dot_dimension_numbers<[1], [0], [0], [1], [0, 0, 1, 1], [], []>, precision = #tpu.contract_precision<fp32>, transpose_lhs_hint = false} : vector<10000x128xf32>, vector<128x32xf32>, vector<10000x32xf32> -> vector<10000x32xf32>
    %swap3A = arith.constant 0 : index
    %swap3A_6 = arith.constant 0 : index
    %swap3A_7 = vector.load %arg2[%swap3A, %swap3A_6] : memref<10000x32xf32, #tpu.memory_space<vmem>>, vector<10000x32xf32>
    tpu.vector_store %arg2[%swap3A, %swap3A_6], %dot_general3A_5 {strides = array<i32>} : memref<10000x32xf32, #tpu.memory_space<vmem>>, vector<10000x32xf32>,
    return
  }
}

module attributes {stable_mosaic.version = 14 : i64} {
  func.func @_p1b_body(%arg0: memref<2x10240xf32, #tpu.memory_space<vmem>>, %arg1: memref<10000x32xf32, #tpu.memory_space<vmem>>, %arg2: memref<10240x32xf32, #tpu.memory_space<vmem>>, %arg3: memref<10000x1xf32, #tpu.memory_space<vmem>>) attributes {dimension_semantics = [], scalar_prefetch = 0 : i64, scratch_operands = 0 : i64, tpu.core_type = #tpu.core_type<tc>} {
    %get3A = arith.constant 0 : index
    %get3A_0 = arith.constant 0 : index
    %get3A_1 = vector.load %arg0[%get3A, %get3A_0] : memref<2x10240xf32, #tpu.memory_space<vmem>>, vector<1x10000xf32>
    %get3A_2 = vector.shape_cast %get3A_1 : vector<1x10000xf32> to vector<10000xf32>
    %get3A_3 = arith.constant 1 : index
    %get3A_4 = arith.constant 0 : index
    %get3A_5 = vector.load %arg0[%get3A_3, %get3A_4] : memref<2x10240xf32, #tpu.memory_space<vmem>>, vector<1x10000xf32>
    %get3A_6 = vector.shape_cast %get3A_5 : vector<1x10000xf32> to vector<10000xf32>
    %add3A = arith.addf %get3A_2, %get3A_6 : vector<10000xf32>
    %add3A_7 = arith.constant 1.000000e+00 : f32
    %add3A_8 = vector.broadcast %add3A_7 : f32 to vector<10000xf32>
    %add3A_9 = arith.addf %add3A, %add3A_8 : vector<10000xf32>
    %rsqrt3A = math.rsqrt %add3A_9 : vector<10000xf32>
    %get3A_10 = arith.constant 0 : index
    %get3A_11 = arith.constant 0 : index
    %get3A_12 = vector.load %arg1[%get3A_10, %get3A_11] : memref<10000x32xf32, #tpu.memory_space<vmem>>, vector<10000x32xf32>
    %broadcast_in_dim3A = vector.shape_cast %rsqrt3A : vector<10000xf32> to vector<10000x1xf32>
    %mul3A = vector.broadcast %broadcast_in_dim3A : vector<10000x1xf32> to vector<10000x32xf32>
    %mul3A_13 = arith.mulf %get3A_12, %mul3A : vector<10000x32xf32>
    %swap3A = arith.constant 0 : index
    %swap3A_14 = arith.constant 0 : index
    %swap3A_15 = vector.load %arg2[%swap3A, %swap3A_14] : memref<10240x32xf32, #tpu.memory_space<vmem>>, vector<10000x32xf32>
    tpu.vector_store %arg2[%swap3A, %swap3A_14], %mul3A_13 {strides = array<i32>} : memref<10240x32xf32, #tpu.memory_space<vmem>>, vector<10000x32xf32>,
    %broadcast_in_dim3A_16 = arith.constant 0.000000e+00 : f32
    %broadcast_in_dim3A_17 = vector.broadcast %broadcast_in_dim3A_16 : f32 to vector<240x32xf32>
    %swap3A_18 = arith.constant 10000 : index
    %swap3A_19 = arith.constant 0 : index
    %swap3A_20 = vector.load %arg2[%swap3A_18, %swap3A_19] : memref<10240x32xf32, #tpu.memory_space<vmem>>, vector<240x32xf32>
    tpu.vector_store %arg2[%swap3A_18, %swap3A_19], %broadcast_in_dim3A_17 {strides = array<i32>} : memref<10240x32xf32, #tpu.memory_space<vmem>>, vector<240x32xf32>,
    %broadcast_in_dim3A_21 = vector.shape_cast %rsqrt3A : vector<10000xf32> to vector<10000x1xf32>
    %swap3A_22 = arith.constant 0 : index
    %swap3A_23 = arith.constant 0 : index
    %swap3A_24 = vector.load %arg3[%swap3A_22, %swap3A_23] : memref<10000x1xf32, #tpu.memory_space<vmem>>, vector<10000x1xf32>
    tpu.vector_store %arg3[%swap3A_22, %swap3A_23], %broadcast_in_dim3A_21 {strides = array<i32>} : memref<10000x1xf32, #tpu.memory_space<vmem>>, vector<10000x1xf32>,
    return
  }
}

module attributes {stable_mosaic.version = 14 : i64} {
  func.func @_p3_body(%arg0: memref<2x2560x128xf32, #tpu.memory_space<vmem>>, %arg1: memref<2560x128xf32, #tpu.memory_space<vmem>>, %arg2: memref<1x128xf32, #tpu.memory_space<vmem>>, %arg3: memref<128x32xf32, #tpu.memory_space<vmem>>, %arg4: memref<2560x32xf32, #tpu.memory_space<vmem>>, %arg5: memref<2560x32xf32, #tpu.memory_space<vmem>>) attributes {dimension_semantics = [], scalar_prefetch = 0 : i64, scratch_operands = 0 : i64, tpu.core_type = #tpu.core_type<tc>} {
    %get3A = arith.constant 0 : index
    %get3A_0 = arith.constant 0 : index
    %get3A_1 = arith.constant 0 : index
    %get3A_2 = vector.load %arg0[%get3A, %get3A_0, %get3A_1] : memref<2x2560x128xf32, #tpu.memory_space<vmem>>, vector<1x2560x128xf32>
    %get3A_3 = vector.shape_cast %get3A_2 : vector<1x2560x128xf32> to vector<2560x128xf32>
    %get3A_4 = arith.constant 1 : index
    %get3A_5 = arith.constant 0 : index
    %get3A_6 = arith.constant 0 : index
    %get3A_7 = vector.load %arg0[%get3A_4, %get3A_5, %get3A_6] : memref<2x2560x128xf32, #tpu.memory_space<vmem>>, vector<1x2560x128xf32>
    %get3A_8 = vector.shape_cast %get3A_7 : vector<1x2560x128xf32> to vector<2560x128xf32>
    %add3A = arith.addf %get3A_3, %get3A_8 : vector<2560x128xf32>
    %get3A_9 = arith.constant 0 : index
    %get3A_10 = arith.constant 0 : index
    %get3A_11 = vector.load %arg1[%get3A_9, %get3A_10] : memref<2560x128xf32, #tpu.memory_space<vmem>>, vector<2560x128xf32>
    %mul3A = arith.mulf %add3A, %get3A_11 : vector<2560x128xf32>
    %get3A_12 = arith.constant 0 : index
    %get3A_13 = arith.constant 0 : index
    %get3A_14 = vector.load %arg2[%get3A_12, %get3A_13] : memref<1x128xf32, #tpu.memory_space<vmem>>, vector<1x128xf32>
    %add3A_15 = vector.broadcast %get3A_14 : vector<1x128xf32> to vector<2560x128xf32>
    %add3A_16 = arith.addf %mul3A, %add3A_15 : vector<2560x128xf32>
    %max3A = arith.constant 0.000000e+00 : f32
    %max3A_17 = vector.broadcast %max3A : f32 to vector<2560x128xf32>
    %max3A_18 = arith.maximumf %add3A_16, %max3A_17 : vector<2560x128xf32>
    %get3A_19 = arith.constant 0 : index
    %get3A_20 = arith.constant 0 : index
    %get3A_21 = vector.load %arg3[%get3A_19, %get3A_20] : memref<128x32xf32, #tpu.memory_space<vmem>>, vector<128x32xf32>
    %dot_general3A = arith.constant dense<0.000000e+00> : vector<2560x32xf32>
    %dot_general3A_22 = tpu.matmul %max3A_18, %get3A_21, %dot_general3A {dimension_numbers = #tpu.dot_dimension_numbers<[1], [0], [0], [1], [0, 0, 1, 1], [], []>, precision = #tpu.contract_precision<fp32>, transpose_lhs_hint = false} : vector<2560x128xf32>, vector<128x32xf32>, vector<2560x32xf32> -> vector<2560x32xf32>
    %get3A_23 = arith.constant 0 : index
    %get3A_24 = arith.constant 0 : index
    %get3A_25 = vector.load %arg4[%get3A_23, %get3A_24] : memref<2560x32xf32, #tpu.memory_space<vmem>>, vector<2560x32xf32>
    %mul3A_26 = arith.mulf %dot_general3A_22, %get3A_25 : vector<2560x32xf32>
    %swap3A = arith.constant 0 : index
    %swap3A_27 = arith.constant 0 : index
    %swap3A_28 = vector.load %arg5[%swap3A, %swap3A_27] : memref<2560x32xf32, #tpu.memory_space<vmem>>, vector<2560x32xf32>
    tpu.vector_store %arg5[%swap3A, %swap3A_27], %mul3A_26 {strides = array<i32>} : memref<2560x32xf32, #tpu.memory_space<vmem>>, vector<2560x32xf32>,
    return
  }
}

module attributes {stable_mosaic.version = 14 : i64} {
  func.func @_p5_body(%arg0: memref<2x640x128xf32, #tpu.memory_space<vmem>>, %arg1: memref<640x128xf32, #tpu.memory_space<vmem>>, %arg2: memref<1x128xf32, #tpu.memory_space<vmem>>, %arg3: memref<128x128xf32, #tpu.memory_space<vmem>>, %arg4: memref<640x128xf32, #tpu.memory_space<vmem>>) attributes {dimension_semantics = [], scalar_prefetch = 0 : i64, scratch_operands = 0 : i64, tpu.core_type = #tpu.core_type<tc>} {
    %get3A = arith.constant 0 : index
    %get3A_0 = arith.constant 0 : index
    %get3A_1 = arith.constant 0 : index
    %get3A_2 = vector.load %arg0[%get3A, %get3A_0, %get3A_1] : memref<2x640x128xf32, #tpu.memory_space<vmem>>, vector<1x640x128xf32>
    %get3A_3 = vector.shape_cast %get3A_2 : vector<1x640x128xf32> to vector<640x128xf32>
    %get3A_4 = arith.constant 1 : index
    %get3A_5 = arith.constant 0 : index
    %get3A_6 = arith.constant 0 : index
    %get3A_7 = vector.load %arg0[%get3A_4, %get3A_5, %get3A_6] : memref<2x640x128xf32, #tpu.memory_space<vmem>>, vector<1x640x128xf32>
    %get3A_8 = vector.shape_cast %get3A_7 : vector<1x640x128xf32> to vector<640x128xf32>
    %add3A = arith.addf %get3A_3, %get3A_8 : vector<640x128xf32>
    %get3A_9 = arith.constant 0 : index
    %get3A_10 = arith.constant 0 : index
    %get3A_11 = vector.load %arg1[%get3A_9, %get3A_10] : memref<640x128xf32, #tpu.memory_space<vmem>>, vector<640x128xf32>
    %mul3A = arith.mulf %add3A, %get3A_11 : vector<640x128xf32>
    %get3A_12 = arith.constant 0 : index
    %get3A_13 = arith.constant 0 : index
    %get3A_14 = vector.load %arg2[%get3A_12, %get3A_13] : memref<1x128xf32, #tpu.memory_space<vmem>>, vector<1x128xf32>
    %add3A_15 = vector.broadcast %get3A_14 : vector<1x128xf32> to vector<640x128xf32>
    %add3A_16 = arith.addf %mul3A, %add3A_15 : vector<640x128xf32>
    %get3A_17 = arith.constant 0 : index
    %get3A_18 = arith.constant 0 : index
    %get3A_19 = vector.load %arg3[%get3A_17, %get3A_18] : memref<128x128xf32, #tpu.memory_space<vmem>>, vector<128x128xf32>
    %dot_general3A = arith.constant dense<0.000000e+00> : vector<640x128xf32>
    %dot_general3A_20 = tpu.matmul %add3A_16, %get3A_19, %dot_general3A {dimension_numbers = #tpu.dot_dimension_numbers<[1], [0], [0], [1], [0, 0, 1, 1], [], []>, precision = #tpu.contract_precision<fp32>, transpose_lhs_hint = false} : vector<640x128xf32>, vector<128x128xf32>, vector<640x128xf32> -> vector<640x128xf32>
    %max3A = arith.maximumf %add3A_16, %dot_general3A_20 : vector<640x128xf32>
    %sub3A = arith.subf %add3A_16, %max3A : vector<640x128xf32>
    %exp3A = math.exp %sub3A : vector<640x128xf32>
    %get3A_21 = arith.constant 0 : index
    %get3A_22 = arith.constant 0 : index
    %get3A_23 = vector.load %arg3[%get3A_21, %get3A_22] : memref<128x128xf32, #tpu.memory_space<vmem>>, vector<128x128xf32>
    %dot_general3A_24 = arith.constant dense<0.000000e+00> : vector<640x128xf32>
    %dot_general3A_25 = tpu.matmul %exp3A, %get3A_23, %dot_general3A_24 {dimension_numbers = #tpu.dot_dimension_numbers<[1], [0], [0], [1], [0, 0, 1, 1], [], []>, precision = #tpu.contract_precision<fp32>, transpose_lhs_hint = false} : vector<640x128xf32>, vector<128x128xf32>, vector<640x128xf32> -> vector<640x128xf32>
    %add3A_26 = arith.addf %exp3A, %dot_general3A_25 : vector<640x128xf32>
    %div3A = arith.divf %exp3A, %add3A_26 : vector<640x128xf32>
    %swap3A = arith.constant 0 : index
    %swap3A_27 = arith.constant 0 : index
    %swap3A_28 = vector.load %arg4[%swap3A, %swap3A_27] : memref<640x128xf32, #tpu.memory_space<vmem>>, vector<640x128xf32>
    tpu.vector_store %arg4[%swap3A, %swap3A_27], %div3A {strides = array<i32>} : memref<640x128xf32, #tpu.memory_space<vmem>>, vector<640x128xf32>,
    return
  }
}

</mosaic_0001>

<sc_bundles>
// kernel: kernel.12.cloned.1.call-start
scs
__scs_entry_jumppad:
0x0: {  	(pc) =	sbr.rel $0x88, $3  }
0x1: {  	(tag) =	ssettag $0x0;
	lr =	simm.s32 $0x1  }
0x2: {  	[smem:$0x3F9B] =	sst lr;
	_ =	strace $0xD0000000  }
0x3: {  	_ = 	snop  }
0x4: {  	_ = 	snop  }
0x5: {  	_ = 	snop  }
0x6: {  	_ = 	snop  }
0x7: {  	_ = 	snop  }
__scs_overlays_trampoline_lowered:
0x8: {  	[smem:$0x3FAA] =	sst s0  }
0x9: {  	[smem:$0x3FAB] =	sst s1  }
0xa: {  	[smem:$0x3FAC] =	sst s2  }
0xb: {  	[smem:$0x3FAD] =	sst s3  }
0xc: {  	[smem:$0x3FAE] =	sst s4  }
0xd: {  	[smem:$0x3FAF] =	sst s5  }
0xe: {  	[smem:$0x3FB0] =	sst s6  }
0xf: {  	[smem:$0x3FB1] =	sst s7  }
0x10: {  	[smem:$0x3FB2] =	sst s8  }
0x11: {  	[smem:$0x3FB3] =	sst s9;
	s0 =	simm.s32 @!p0 $0x0  }
0x12: {  	s1 =	sld [smem:$0x3F99];
	s0 =	simm.s32 @p0 $0x1  }
0x13: {  	[smem:$0x3FB4] =	sst s0;
	s0 =	simm.s32 @!p1 $0x0  }
0x14: {  	s2 =	sld [smem:$0x3F98];
	s0 =	simm.s32 @p1 $0x1  }
0x15: {  	[smem:$0x3FB5] =	sst s0;
	s0 =	simm.s32 @!p2 $0x0  }
0x16: {  	s3 =	sld [smem:$0x3FDB];
	s0 =	simm.s32 @p2 $0x1  }
0x17: {  	s4 =	simm.s32 $0x1BF5;
	[smem:$0x3FB7] =	sst s0  }
0x18: {  	s0 =	sld [smem:$0x3F9A];
	_ =	swait.ge [sflag:s4], $0x0  }
0x19: {  	s7 =	sld [smem:$0x3F9B]  }
0x1a: {  	s8 =	sadd.s32 $0xFFFFE003, lr  }
0x1b: {  	s9 =	sadd.s32 $0xFFFFFEF7, lr;
	s5 =	simm.s32 $0xFFFFFFFF;
	p2 =	slt.u32 s8, $0xFFFFF086  }
0x1c: {  	p1 =	slt.u32 s9, $0xF7A;
	s5 =	simm.s32 @!p2 $0x0  }
0x1d: {  	s5 =	simm.s32 @p1 $0x1;
	p0 =	seq.s32 s7, s2  }
0x1e: {  	s7 =	smul.u32 @!p0 $0xF7A, s2;
	p2 =	seq.s32 @!p0 s5, $0x0  }
0x1f: {  	s9 =	smul.u32 $0xF7A, s1;
	s8 =	simm.s32 @!p0 $0x1BF5;
	p2 =	por !p2, p0  }
0x20: {  	[sflag:s8] =	ssyncset.s32 @!p0 $0xFFFFF086;
	s6 =	sadd.s32 @!p0 s3, s7;
	s7 =	simm.s32 @!p0 $0x108  }
0x21: {  	s3 =	sadd.s32 s3, s9;
	s6 =	sadd.s32 @!p0 $0x88, s6;
	s7 =	simm.s32 @p2 $0x1082  }
0x22: {  	[simem:s7], [sflag:s8] =	dma.local @!p0 [hbm:s6], $0xF7A  }
0x23: {  	s9 =	sor.u32 $0xD0000000, s2;
	s6 =	simm.s32 $0x108;
	_ =	swait.ge @!p0 [sflag:s8], $0x0  }
0x24: {  	s3 =	sadd.s32 $0x88, s3;
	s6 =	simm.s32 @!p1 $0x1082;
	[sflag:s4] =	ssyncset.s32 $0xFFFFF086  }
0x25: {  	[simem:s6], [sflag:s4] =	dma.local [hbm:s3], $0xF7A  }
0x26: {  	[smem:$0x3F9B] =	sst s1;
	(tag) =	ssettag s2;
	_ =	strace s9  }
0x27: {  	s1 =	sld [smem:$0x3FAB]  }
0x28: {  	s2 =	sld [smem:$0x3FAC]  }
0x29: {  	s4 =	sld [smem:$0x3FAE]  }
0x2a: {  	p0 =	seq.s32 s5, $0x0;
	s5 =	sld [smem:$0x3FAF]  }
0x2b: {  	s6 =	sld [smem:$0x3FB0]  }
0x2c: {  	s7 =	sld [smem:$0x3FB1]  }
0x2d: {  	s3 =	simm.s32 $0x108;
	s8 =	sld [smem:$0x3FB2]  }
0x2e: {  	s3 =	simm.s32 @!p0 $0x1082;
	s9 =	sld [smem:$0x3FB3]  }
0x2f: {  	lr =	sadd.s32 s0, s3;
	s0 =	sld [smem:$0x3FAA]  }
0x30: {  	s3 =	sld [smem:$0x3FAD]  }
0x31: {  	[smem:$0x3FB6] =	sst s10  }
0x32: {  	s10 =	sld [smem:$0x3FB4];
	_ =	sdelay $0x3  }
0x33: {  	p0 =	seq.s32 s10, $0x1;
	s10 =	sld [smem:$0x3FB6];
	_ =	sdelay $0x3  }
0x34: {  	[smem:$0x3FB6] =	sst s10  }
0x35: {  	s10 =	sld [smem:$0x3FB5];
	_ =	sdelay $0x3  }
0x36: {  	p1 =	seq.s32 s10, $0x1;
	s10 =	sld [smem:$0x3FB6];
	_ =	sdelay $0x3  }
0x37: {  	[smem:$0x3FB6] =	sst s10  }
0x38: {  	s10 =	sld [smem:$0x3FB7]  }
0x39: {  	_ = 	snop;
	(pc) =	sbr.ind lr, $3  }
0x3a: {  	_ = 	snop  }
0x3b: {  	_ = 	snop  }
0x3c: {  	p2 =	seq.s32 s10, $0x1;
	s10 =	sld [smem:$0x3FB6]  }
0x3d: {  	_ =	shalt  }
0x3e: {  	_ =	shalt  }
0x3f: {  	_ =	shalt  }
0x40: {  	_ =	shalt  }
0x41: {  	_ =	shalt  }
0x42: {  	_ =	shalt  }
0x43: {  	_ =	shalt  }
0x44: {  	_ =	shalt  }
0x45: {  	_ =	shalt  }
0x46: {  	_ =	shalt  }
0x47: {  	_ =	shalt  }
0x48: {  	_ =	shalt  }
0x49: {  	_ =	shalt  }
0x4a: {  	_ =	shalt  }
0x4b: {  	_ =	shalt  }
0x4c: {  	_ =	shalt  }
0x4d: {  	_ =	shalt  }
0x4e: {  	_ =	shalt  }
0x4f: {  	_ =	shalt  }
0x50: {  	_ =	shalt  }
0x51: {  	_ =	shalt  }
0x52: {  	_ =	shalt  }
0x53: {  	_ =	shalt  }
0x54: {  	_ =	shalt  }
0x55: {  	_ =	shalt  }
0x56: {  	_ =	shalt  }
0x57: {  	_ =	shalt  }
0x58: {  	_ =	shalt  }
0x59: {  	_ =	shalt  }
0x5a: {  	_ =	shalt  }
0x5b: {  	_ =	shalt  }
0x5c: {  	_ =	shalt  }
0x5d: {  	_ =	shalt  }
0x5e: {  	_ =	shalt  }
0x5f: {  	_ =	shalt  }
0x60: {  	_ =	shalt  }
0x61: {  	_ =	shalt  }
0x62: {  	_ =	shalt  }
0x63: {  	_ =	shalt  }
0x64: {  	_ =	shalt  }
0x65: {  	_ =	shalt  }
0x66: {  	_ =	shalt  }
0x67: {  	_ =	shalt  }
0x68: {  	_ =	shalt  }
0x69: {  	_ =	shalt  }
0x6a: {  	_ =	shalt  }
0x6b: {  	_ =	shalt  }
0x6c: {  	_ =	shalt  }
0x6d: {  	_ =	shalt  }
0x6e: {  	_ =	shalt  }
0x6f: {  	_ =	shalt  }
0x70: {  	_ =	shalt  }
0x71: {  	_ =	shalt  }
0x72: {  	_ =	shalt  }
0x73: {  	_ =	shalt  }
0x74: {  	_ =	shalt  }
0x75: {  	_ =	shalt  }
0x76: {  	_ =	shalt  }
0x77: {  	_ =	shalt  }
0x78: {  	_ =	shalt  }
0x79: {  	_ =	shalt  }
0x7a: {  	_ =	shalt  }
0x7b: {  	_ =	shalt  }
0x7c: {  	_ =	shalt  }
0x7d: {  	_ =	shalt  }
0x7e: {  	_ =	shalt  }
0x7f: {  	_ =	shalt  }
0x80: {  	_ =	shalt  }
0x81: {  	_ =	shalt  }
0x82: {  	_ =	shalt  }
0x83: {  	_ =	shalt  }
0x84: {  	_ =	shalt  }
0x85: {  	_ =	shalt  }
0x86: {  	_ =	shalt  }
0x87: {  	_ =	shalt  }
.Lfunc_end0:
.L_simem_size_0:
called_computation.1_lowered:
.L_overlay_start_0:
0x88: {  	s2 =	sld [smem:$0x3FD9]  }
0x89: {  	s3 =	sld [smem:$0x3FFE];
	_ =	sdelay $0x1  }
0x8a: {  	s1 =	srdreg.scid  }
0x8b: {  	s0 =	sand.u32 $0x1, s1  }
0x8c: {  	s16 =	sshll.u32 s0, $0xA;
	s2 =	sadd.s32 s3, s2  }
0x8d: {  	s2 =	sadd.s32 s2, s16  }
0x8e: {  	[smem:$0x3FC2] =	sst s2  }
0x8f: {  	_ = 	snop  }
0x90: {  	(tm) =	ssettm $0x1  }
0x91: {  	s17 =	sld [smem:$0x3FFB];
	_ =	sdelay $0x3  }
0x92: {  	_ =	strace s17  }
0x93: {  	s2 =	sld [smem:$0x3FFC];
	_ =	sdelay $0x3  }
0x94: {  	_ =	strace s2  }
0x95: {  	s2 =	sld [smem:$0x3FFD];
	_ =	sdelay $0x3  }
0x96: {  	_ =	strace s2  }
0x97: {  	_ =	strace $0x8FFFFFFF  }
0x98: {  	s18 =	sld [smem:$0x3FDB];
	_ =	sdelay $0x1  }
0x99: {  	s19 =	simm.s32 $_scs_section_size  }
0x9a: {  	s4 =	simm.s32 $_size__tile_overlayer_lowered;
	s5 =	simm.s32 $_tile_overlayer_lowered  }
0x9b: {  	s22 =	simm.s32 $0x1BFF;
	s21 =	sshll.u32 s5, $0x1;
	s2 =	sadd.s32 s19, s18  }
0x9c: {  	s6 =	simm.s32 $0x0;
	s20 =	sshll.u32 s4, $0x1;
	s4 =	sadd.s32 s21, s2  }
0x9d: {  	[timem:s6], [sflag:s22] =	dma.local [hbm:s4], s20  }
0x9e: {  	_ =	swait.ge [sflag:s22], s20  }
0x9f: {  	s3 =	ssub.s32 $0x0, s20;
	[sflag:s22] =	ssyncset.done $0x0  }
0xa0: {  	[sflag:s22] =	ssyncadd.s32 s3;
	_ =	sdelay $0x1  }
0xa1: {  	s23 =	simm.s32 $0x1B8B  }
0xa2: {  	_ =	swait.ge [sflag:s23], $0x1  }
0xa3: {  	[sflag:s23] =	ssyncset.done $0x0  }
0xa4: {  	s25 =	simm.s32 $0x1B8E;
	s24 =	sld [smem:$0x3FFE];
	[sflag:s23] =	ssyncadd.s32 $0xFFFFFFFF  }
0xa5: {  	s26 =	simm.s32 $execute0_lowered;
	[smem:$0x3FD2] =	sst s25  }
0xa6: {  	s4 =	sshll.u32 s26, $0x1;
	_ =	strace $0x80000049;
	[dreg:$0x1] =	wrdreg $0xFFFFFFFF  }
0xa7: {  	s28 =	simm.s32 $_size_execute0_lowered;
	s2 =	sadd.s32 s2, s4;
	[dreg:$0x0] =	wrdreg $0x0  }
0xa8: {  	s4 =	sshll.u32 s28, $0x1;
	[dreg:$0x2] =	wrdreg s2  }
0xa9: {  	[dreg:$0x3] =	wrdreg s4  }
0xaa: {  	[dreg:$0x4] =	wrdreg $0xC0  }
0xab: {  	_ =	task [dreg:s6], $0x5FFFF  }
0xac: {  	[dreg:$0x1] =	wrdreg $0xFFFFFFFF  }
0xad: {  	[dreg:$0x0] =	wrdreg $0x60  }
0xae: {  	[dreg:$0x2] =	wrdreg s24  }
0xaf: {  	[dreg:$0x3] =	wrdreg $0x70000  }
0xb0: {  	[dreg:$0x4] =	wrdreg $0x9  }
0xb1: {  	_ =	task.clear_ibuf [dreg:s6], $0x5FFFF;
	_ =	strace $0x90000049  }
0xb2: {  	s29 =	simm.s32 $0x9;
	_ =	strace $0x8000004B  }
0xb3: {  	_ =	swait.ge [sflag:s29], $0x1  }
0xb4: {  	[sflag:s29] =	ssyncadd.s32 $0xFFFFFFFF  }
0xb5: {  	_ =	strace $0x9000004B  }
0xb6: {  	_ =	sfence  }
0xb7: {  	s30 =	sld [smem:$0x0];
	_ =	sdelay $0x2  }
0xb8: {  	s31 =	sshll.u32 s1, $0xD;
	s1 =	sshrl.u32 s1, $0x2  }
0xb9: {  	s3 =	sand.u32 $0x4000, s31;
	s1 =	sadd.s32 s1, s30  }
0xba: {  	s0 =	sor.u32 s3, s0;
	s1 =	sshll.u32 s1, $0x11  }
0xbb: {  	s0 =	sor.u32 s1, s0  }
0xbc: {  	s0 =	sadd.s32 $0x8F2B, s0  }
0xbd: {  	[sflag:s0] =	ssyncadd.remote.s32 $0x1  }
0xbe: {  	_ =	sfence.sel $0xFFFF  }
0xbf: {  	[dreg:$0x0] =	wrdreg $0xFFFFFFFF;
	(pc) =	sbr.abs _section_cstart, $3  }
0xc0: {  	[dreg:$0x1] =	wrdreg $0xFFFFFFFF  }
0xc1: {  	_ =	task.clear_ibuf [dreg:s6], $0x2FFFF;
	_ =	strace $0x9FFFFFFF  }
0xc2: {  	(tm) =	ssettm $0x7FFFFFFF  }
0xc3: {  	_ =	shalt  }
tec
execute0_lowered:
.L_overlay_start_1:
0x0: {  	(tag) =	ssettag $0x1  }
0x1: {  	s1 =	srdreg.scid;
	s6 =	rddreg [dreg:$0x0]  }
0x2: {  	s0 =	stileid.u32;
	s2 =	rddreg [dreg:$0x1]  }
0x3: {  	s3 =	simm.s32 $0x0;
	s16 =	simm.s32 $0x3;
	s17 =	simm.s32 $0x2800  }
0x4: {  	s18 =	simm.s32 $0x80;
	s19 =	simm.s32 $0x5000;
	s20 =	simm.s32 $0x6000  }
0x5: {  	s21 =	simm.s32 $0x1;
	s22 =	simm.s32 $0x2;
	s23 =	simm.s32 $0x4F00  }
0x6: {  	s24 =	simm.s32 $0x4F80;
	s26 =	simm.s32 $0x0;
	s9 =	sand.u32 $0x1, s1  }
0x7: {  	s30 =	sshll.u32 s0, $0x1;
	s7 =	smul.u32 $0x5000, s0;
	[smem:$0x7FF] =	sst s3  }
0x8: {  	s4 =	sadd.s32 $0x14800, s6;
	s12 =	smul.u32 $0x14000, s0;
	s25 =	sshll.u32 s0, $0x6  }
0x9: {  	s1 =	sor.u32 s9, s30;
	s8 =	smul.u32 $0x50000, s9;
	s11 =	ssub.s32 $0x2, s9  }
0xa: {  	p0 =	sne.s32 s9, $0x0;
	s25 =	sor.u32 $0x1C03, s25;
	s5 =	smul.u32 $0x500, s1  }
0xb: {  	s1 =	rddreg [dreg:$0x2];
	_ =	strace $0x8000004A;
	s13 =	sshrl.u32 s11, $0x1  }
0xc: {  	s31 =	sshrl.u32 s12, $0x2;
	s12 =	sshll.u32 @p0 s0, $0x6;
	s8 =	sadd.s32 s7, s8  }
0xd: {  	s11 =	ssub.s32 s11, s13;
	s13 =	sadd.s32 s31, s2;
	s12 =	sor.u32 @p0 $0x1C03, s12  }
0xe: {  	s10 =	sadd.s32 s5, s6;
	s5 =	sadd.s32 $0x1E800, s6;
	s8 =	sshrl.u32 s8, $0x3  }
0xf: {  	s11 =	smax.u32 s11, $0x1;
	s13 =	sshrl.u32 @p0 s13, $0x3;
	s14 =	sadd.s32 s8, s6  }
0x10: {  	s6 =	sadd.s32 s7, s2;
	s7 =	sshrl.u32 s7, $0x3;
	s8 =	sadd.s32 $0xA800, s10  }
0x11: {  	s9 =	sadd.s32 $0x800, s10;
	s10 =	sadd.s32 $0x1F200, s14;
	s14 =	sshll.u32 @!p0 s0, $0x6  }
0x12: {  	s7 =	sadd.s32 s4, s7;
	s15 =	sshrl.u32 @!p0 s6, $0x3;
	s14 =	sor.u32 @!p0 $0x1C03, s14  }
.LBB2_1:
0x13: {  	[spmem:s13], [sflag:s12] =	dma.local @p0 [hbm:s5], $0xA00  }
0x14: {  	[spmem:s15], [sflag:s14] =	dma.local @!p0 [hbm:s7], $0xA00  }
0x15: {  	_ =	swait.ge [sflag:s16], $0xA00  }
0x16: {  	[sflag:s16] =	ssyncset.done $0x0  }
0x17: {  	[sflag:s16] =	ssyncadd.s32 $0xFFFFF600  }
0x18: {  	[tilespmem:s3], [sflag:$0x3] =	stream.linear.gather [hbm4b:s8+s3], $0x2800, $0x38;
	[tilespmem:$0xC000] =	vst v63  }
0x19: {  	_ =	swait.ge [sflag:s16], $0x2800  }
0x1a: {  	[sflag:s16] =	ssyncset.done $0x0  }
0x1b: {  	[sflag:s16] =	ssyncadd.s32 $0xFFFFD800  }
0x1c: {  	[tilespmem:s17], [sflag:$0x3] =	stream.linear.gather [hbm4b:s9+s3], $0x2800, $0x38;
	[tilespmem:$0xC000] =	vst v63  }
0x1d: {  	_ =	swait.ge [sflag:s16], $0x2800  }
0x1e: {  	[sflag:s16] =	ssyncset.done $0x0  }
0x1f: {  	[sflag:s16] =	ssyncadd.s32 $0xFFFFD800  }
0x20: {  	[bflag:$0x0] =	sbarrier.arrive $0xFFFF  }
0x21: {  	[tilespmem:s19], [sflag:$0x1] =	stream.indirect.gather [hbm4b:s4+s18], $0x20, s3, s18, $0xb8;
	[tilespmem:$0xC000] =	vst v63  }
0x22: {  	_ = 	snop  }
0x23: {  	[tilespmem:s20], [sflag:$0x2] =	stream.indirect.gather [hbm4b:s4+s18], $0x20, s18, s18, $0xb8;
	[tilespmem:$0xC000] =	vst v63  }
0x24: {  	_ =	swait.ge [sflag:s21], $0x1000  }
0x25: {  	[sflag:s21] =	ssyncset.done $0x0  }
0x26: {  	s28 =	simm.s32 $0x2800;
	[sflag:s21] =	ssyncadd.s32 $0xFFFFF000  }
0x27: {  	[spmem:s2] =	stream.indirect.scatter.add.f32 [tilespmem:s19], [sflag:$0x3], $0x20, s28, s18, $0xb8;
	[tilespmem:$0xC000] =	vst v63  }
0x28: {  	_ =	swait.ge [sflag:s16], $0x1000  }
0x29: {  	[sflag:s16] =	ssyncset.done $0x0  }
0x2a: {  	s28 =	simm.s32 $0x100;
	[sflag:s16] =	ssyncadd.s32 $0xFFFFF000  }
0x2b: {  	[tilespmem:s19], [sflag:$0x1] =	stream.indirect.gather [hbm4b:s4+s18], $0x20, s28, s18, $0xb8;
	[tilespmem:$0xC000] =	vst v63  }
0x2c: {  	_ =	swait.ge [sflag:s22], $0x1000  }
0x2d: {  	[sflag:s22] =	ssyncset.done $0x0  }
0x2e: {  	s28 =	simm.s32 $0x2880;
	[sflag:s22] =	ssyncadd.s32 $0xFFFFF000  }
0x2f: {  	[spmem:s2] =	stream.indirect.scatter.add.f32 [tilespmem:s20], [sflag:$0x3], $0x20, s28, s18, $0xb8;
	[tilespmem:$0xC000] =	vst v63  }
0x30: {  	_ =	swait.ge [sflag:s16], $0x1000  }
0x31: {  	[sflag:s16] =	ssyncset.done $0x0  }
0x32: {  	s29 =	simm.s32 $0x180;
	s28 =	simm.s32 $0x400;
	[sflag:s16] =	ssyncadd.s32 $0xFFFFF000  }
.LBB2_2:
0x33: {  	[tilespmem:s20], [sflag:$0x2] =	stream.indirect.gather [hbm4b:s4+s18], $0x20, s29, s18, $0xb8;
	[tilespmem:$0xC000] =	vst v63  }
0x34: {  	s29 =	smov.u32 s28  }
0x35: {  	p1 =	sne.s32 s28, $0x9800;
	s28 =	sadd.s32 $0x400, s28;
	_ =	swait.ge [sflag:s21], $0x1000  }
0x36: {  	s29 =	sshra.s32 s29, $0x2;
	[sflag:s21] =	ssyncset.done $0x0  }
0x37: {  	s30 =	sadd.s32 $0x2800, s29;
	[sflag:s21] =	ssyncadd.s32 $0xFFFFF000  }
0x38: {  	[spmem:s2] =	stream.indirect.scatter.add.f32 [tilespmem:s19], [sflag:$0x3], $0x20, s30, s18, $0xb8;
	[tilespmem:$0xC000] =	vst v63  }
0x39: {  	_ =	swait.ge [sflag:s16], $0x1000  }
0x3a: {  	[sflag:s16] =	ssyncset.done $0x0  }
0x3b: {  	s30 =	sadd.s32 $0x100, s29;
	[sflag:s16] =	ssyncadd.s32 $0xFFFFF000  }
0x3c: {  	[tilespmem:s19], [sflag:$0x1] =	stream.indirect.gather [hbm4b:s4+s18], $0x20, s30, s18, $0xb8;
	[tilespmem:$0xC000] =	vst v63  }
0x3d: {  	_ =	swait.ge [sflag:s22], $0x1000  }
0x3e: {  	[sflag:s22] =	ssyncset.done $0x0  }
.Ltmp0:
0x3f: {  	s30 =	sadd.s32 $0x2880, s29;
	[sflag:s22] =	ssyncadd.s32 $0xFFFFF000;
	(pc) =	sbr.rel @p1 .LBB2_2-.Ltmp0, $4  }
0x40: {  	[spmem:s2] =	stream.indirect.scatter.add.f32 [tilespmem:s20], [sflag:$0x3], $0x20, s30, s18, $0xb8;
	[tilespmem:$0xC000] =	vst v63  }
0x41: {  	_ =	swait.ge [sflag:s16], $0x1000  }
0x42: {  	[sflag:s16] =	ssyncset.done $0x0  }
0x43: {  	s29 =	sadd.s32 $0x180, s29;
	[sflag:s16] =	ssyncadd.s32 $0xFFFFF000  }
0x44: {  	[tilespmem:s20], [sflag:$0x2] =	stream.indirect.gather [hbm4b:s4+s18], $0x20, s29, s18, $0xb8;
	[tilespmem:$0xC000] =	vst v63  }
0x45: {  	_ =	swait.ge [sflag:s21], $0x1000  }
0x46: {  	[sflag:s21] =	ssyncset.done $0x0  }
0x47: {  	[sflag:s21] =	ssyncadd.s32 $0xFFFFF000  }
0x48: {  	[spmem:s2] =	stream.indirect.scatter.add.f32 [tilespmem:s19], [sflag:$0x3], $0x20, s23, s18, $0xb8;
	[tilespmem:$0xC000] =	vst v63  }
0x49: {  	_ =	swait.ge [sflag:s16], $0x1000  }
0x4a: {  	[sflag:s16] =	ssyncset.done $0x0  }
0x4b: {  	[sflag:s16] =	ssyncadd.s32 $0xFFFFF000  }
0x4c: {  	_ =	swait.ge [sflag:s22], $0x1000  }
0x4d: {  	[sflag:s22] =	ssyncset.done $0x0  }
0x4e: {  	[sflag:s22] =	ssyncadd.s32 $0xFFFFF000  }
0x4f: {  	[spmem:s2] =	stream.indirect.scatter.add.f32 [tilespmem:s20], [sflag:$0x3], $0x20, s24, s18, $0xb8;
	[tilespmem:$0xC000] =	vst v63  }
0x50: {  	_ =	swait.ge [sflag:s16], $0x1000  }
0x51: {  	s26 =	sadd.s32 $0x1, s26;
	[sflag:s16] =	ssyncset.done $0x0  }
0x52: {  	p1 =	sne.s32 s26, s11;
	[sflag:s16] =	ssyncadd.s32 $0xFFFFF000  }
.Ltmp1:
0x53: {  	s28 =	sshrl.u32 s6, $0x3;
	[bflag:$0x0] =	sbarrier.arrive $0xFFFF;
	(pc) =	sbr.rel @p1 .LBB2_1-.Ltmp1, $4  }
0x54: {  	[hbm:s10], [sflag:s25] =	dma.local [spmem:s28], $0xA00  }
0x55: {  	_ =	swait.ge [sflag:s16], $0xA00  }
0x56: {  	[sflag:s16] =	ssyncset.done $0x0  }
0x57: {  	[sflag:s16] =	ssyncadd.s32 $0xFFFFF600  }
0x58: {  	_ =	sfence.sel $0x180000  }
0x59: {  	[bflag:$0x0] =	sbarrier.arrive $0xFFFF  }
0x5a: {  	p0 =	sne.s32 s0, $0x0;
	_ =	strace $0x9000004A  }
0x5b: {  	s0 =	sadd.s32 @!p0 $0x100000, s1;
	[bflag:$0x2] =	sbarrier.arrive $0xFFFF  }
0x5c: {  	[sflag:s0] =	ssyncadd.tile.s32 @!p0 $0x1;
	_ =	shalt  }
.Lfunc_end2:
_tile_overlayer_lowered:
.L_overlay_start_2:
0x5d: {  	(tag) =	ssettag $0x2  }
0x5e: {  	s0 =	rddreg [dreg:$0x0];
	s2 =	stileid.u32  }
0x5f: {  	s1 =	rddreg [dreg:$0x1];
	p0 =	sne.s32 s2, $0x0  }
0x60: {  	s3 =	rddreg [dreg:$0x2];
	[bflag:$0x3] =	sbarrier.arrive $0xFFFF;
	s2 =	simm.s32 @!p0 $0x1C03  }
0x61: {  	[timem:s3], [sflag:s2] =	dma.local @!p0 [hbm:s0], s1  }
0x62: {  	s0 =	simm.s32 @!p0 $0x3  }
0x63: {  	_ =	swait.ge @!p0 [sflag:s0], s1  }
0x64: {  	s1 =	ssub.s32 @!p0 $0x0, s1;
	[sflag:s0] =	ssyncset.done @!p0 $0x0  }
0x65: {  	[sflag:s0] =	ssyncadd.s32 @!p0 s1  }
0x66: {  	[bflag:$0x3] =	sbarrier.arrive $0xFFFF  }
0x67: {  	_ =	shalt  }

// kernel: kernel.15.cloned.1.call-start
scs
__scs_entry_jumppad:
0x0: {  	(pc) =	sbr.rel $0x88, $3  }
0x1: {  	(tag) =	ssettag $0x0;
	lr =	simm.s32 $0x1  }
0x2: {  	[smem:$0x3F9B] =	sst lr;
	_ =	strace $0xD0000000  }
0x3: {  	_ = 	snop  }
0x4: {  	_ = 	snop  }
0x5: {  	_ = 	snop  }
0x6: {  	_ = 	snop  }
0x7: {  	_ = 	snop  }
__scs_overlays_trampoline_lowered:
0x8: {  	[smem:$0x3FAA] =	sst s0  }
0x9: {  	[smem:$0x3FAB] =	sst s1  }
0xa: {  	[smem:$0x3FAC] =	sst s2  }
0xb: {  	[smem:$0x3FAD] =	sst s3  }
0xc: {  	[smem:$0x3FAE] =	sst s4  }
0xd: {  	[smem:$0x3FAF] =	sst s5  }
0xe: {  	[smem:$0x3FB0] =	sst s6  }
0xf: {  	[smem:$0x3FB1] =	sst s7  }
0x10: {  	[smem:$0x3FB2] =	sst s8  }
0x11: {  	[smem:$0x3FB3] =	sst s9;
	s0 =	simm.s32 @!p0 $0x0  }
0x12: {  	s1 =	sld [smem:$0x3F99];
	s0 =	simm.s32 @p0 $0x1  }
0x13: {  	[smem:$0x3FB4] =	sst s0;
	s0 =	simm.s32 @!p1 $0x0  }
0x14: {  	s2 =	sld [smem:$0x3F98];
	s0 =	simm.s32 @p1 $0x1  }
0x15: {  	[smem:$0x3FB5] =	sst s0;
	s0 =	simm.s32 @!p2 $0x0  }
0x16: {  	s3 =	sld [smem:$0x3FDB];
	s0 =	simm.s32 @p2 $0x1  }
0x17: {  	s4 =	simm.s32 $0x1BF5;
	[smem:$0x3FB7] =	sst s0  }
0x18: {  	s0 =	sld [smem:$0x3F9A];
	_ =	swait.ge [sflag:s4], $0x0  }
0x19: {  	s7 =	sld [smem:$0x3F9B]  }
0x1a: {  	s8 =	sadd.s32 $0xFFFFE003, lr  }
0x1b: {  	s9 =	sadd.s32 $0xFFFFFEF7, lr;
	s5 =	simm.s32 $0xFFFFFFFF;
	p2 =	slt.u32 s8, $0xFFFFF086  }
0x1c: {  	p1 =	slt.u32 s9, $0xF7A;
	s5 =	simm.s32 @!p2 $0x0  }
0x1d: {  	s5 =	simm.s32 @p1 $0x1;
	p0 =	seq.s32 s7, s2  }
0x1e: {  	s7 =	smul.u32 @!p0 $0xF7A, s2;
	p2 =	seq.s32 @!p0 s5, $0x0  }
0x1f: {  	s9 =	smul.u32 $0xF7A, s1;
	s8 =	simm.s32 @!p0 $0x1BF5;
	p2 =	por !p2, p0  }
0x20: {  	[sflag:s8] =	ssyncset.s32 @!p0 $0xFFFFF086;
	s6 =	sadd.s32 @!p0 s3, s7;
	s7 =	simm.s32 @!p0 $0x108  }
0x21: {  	s3 =	sadd.s32 s3, s9;
	s6 =	sadd.s32 @!p0 $0x88, s6;
	s7 =	simm.s32 @p2 $0x1082  }
0x22: {  	[simem:s7], [sflag:s8] =	dma.local @!p0 [hbm:s6], $0xF7A  }
0x23: {  	s9 =	sor.u32 $0xD0000000, s2;
	s6 =	simm.s32 $0x108;
	_ =	swait.ge @!p0 [sflag:s8], $0x0  }
0x24: {  	s3 =	sadd.s32 $0x88, s3;
	s6 =	simm.s32 @!p1 $0x1082;
	[sflag:s4] =	ssyncset.s32 $0xFFFFF086  }
0x25: {  	[simem:s6], [sflag:s4] =	dma.local [hbm:s3], $0xF7A  }
0x26: {  	[smem:$0x3F9B] =	sst s1;
	(tag) =	ssettag s2;
	_ =	strace s9  }
0x27: {  	s1 =	sld [smem:$0x3FAB]  }
0x28: {  	s2 =	sld [smem:$0x3FAC]  }
0x29: {  	s4 =	sld [smem:$0x3FAE]  }
0x2a: {  	p0 =	seq.s32 s5, $0x0;
	s5 =	sld [smem:$0x3FAF]  }
0x2b: {  	s6 =	sld [smem:$0x3FB0]  }
0x2c: {  	s7 =	sld [smem:$0x3FB1]  }
0x2d: {  	s3 =	simm.s32 $0x108;
	s8 =	sld [smem:$0x3FB2]  }
0x2e: {  	s3 =	simm.s32 @!p0 $0x1082;
	s9 =	sld [smem:$0x3FB3]  }
0x2f: {  	lr =	sadd.s32 s0, s3;
	s0 =	sld [smem:$0x3FAA]  }
0x30: {  	s3 =	sld [smem:$0x3FAD]  }
0x31: {  	[smem:$0x3FB6] =	sst s10  }
0x32: {  	s10 =	sld [smem:$0x3FB4];
	_ =	sdelay $0x3  }
0x33: {  	p0 =	seq.s32 s10, $0x1;
	s10 =	sld [smem:$0x3FB6];
	_ =	sdelay $0x3  }
0x34: {  	[smem:$0x3FB6] =	sst s10  }
0x35: {  	s10 =	sld [smem:$0x3FB5];
	_ =	sdelay $0x3  }
0x36: {  	p1 =	seq.s32 s10, $0x1;
	s10 =	sld [smem:$0x3FB6];
	_ =	sdelay $0x3  }
0x37: {  	[smem:$0x3FB6] =	sst s10  }
0x38: {  	s10 =	sld [smem:$0x3FB7]  }
0x39: {  	_ = 	snop;
	(pc) =	sbr.ind lr, $3  }
0x3a: {  	_ = 	snop  }
0x3b: {  	_ = 	snop  }
0x3c: {  	p2 =	seq.s32 s10, $0x1;
	s10 =	sld [smem:$0x3FB6]  }
0x3d: {  	_ =	shalt  }
0x3e: {  	_ =	shalt  }
0x3f: {  	_ =	shalt  }
0x40: {  	_ =	shalt  }
0x41: {  	_ =	shalt  }
0x42: {  	_ =	shalt  }
0x43: {  	_ =	shalt  }
0x44: {  	_ =	shalt  }
0x45: {  	_ =	shalt  }
0x46: {  	_ =	shalt  }
0x47: {  	_ =	shalt  }
0x48: {  	_ =	shalt  }
0x49: {  	_ =	shalt  }
0x4a: {  	_ =	shalt  }
0x4b: {  	_ =	shalt  }
0x4c: {  	_ =	shalt  }
0x4d: {  	_ =	shalt  }
0x4e: {  	_ =	shalt  }
0x4f: {  	_ =	shalt  }
0x50: {  	_ =	shalt  }
0x51: {  	_ =	shalt  }
0x52: {  	_ =	shalt  }
0x53: {  	_ =	shalt  }
0x54: {  	_ =	shalt  }
0x55: {  	_ =	shalt  }
0x56: {  	_ =	shalt  }
0x57: {  	_ =	shalt  }
0x58: {  	_ =	shalt  }
0x59: {  	_ =	shalt  }
0x5a: {  	_ =	shalt  }
0x5b: {  	_ =	shalt  }
0x5c: {  	_ =	shalt  }
0x5d: {  	_ =	shalt  }
0x5e: {  	_ =	shalt  }
0x5f: {  	_ =	shalt  }
0x60: {  	_ =	shalt  }
0x61: {  	_ =	shalt  }
0x62: {  	_ =	shalt  }
0x63: {  	_ =	shalt  }
0x64: {  	_ =	shalt  }
0x65: {  	_ =	shalt  }
0x66: {  	_ =	shalt  }
0x67: {  	_ =	shalt  }
0x68: {  	_ =	shalt  }
0x69: {  	_ =	shalt  }
0x6a: {  	_ =	shalt  }
0x6b: {  	_ =	shalt  }
0x6c: {  	_ =	shalt  }
0x6d: {  	_ =	shalt  }
0x6e: {  	_ =	shalt  }
0x6f: {  	_ =	shalt  }
0x70: {  	_ =	shalt  }
0x71: {  	_ =	shalt  }
0x72: {  	_ =	shalt  }
0x73: {  	_ =	shalt  }
0x74: {  	_ =	shalt  }
0x75: {  	_ =	shalt  }
0x76: {  	_ =	shalt  }
0x77: {  	_ =	shalt  }
0x78: {  	_ =	shalt  }
0x79: {  	_ =	shalt  }
0x7a: {  	_ =	shalt  }
0x7b: {  	_ =	shalt  }
0x7c: {  	_ =	shalt  }
0x7d: {  	_ =	shalt  }
0x7e: {  	_ =	shalt  }
0x7f: {  	_ =	shalt  }
0x80: {  	_ =	shalt  }
0x81: {  	_ =	shalt  }
0x82: {  	_ =	shalt  }
0x83: {  	_ =	shalt  }
0x84: {  	_ =	shalt  }
0x85: {  	_ =	shalt  }
0x86: {  	_ =	shalt  }
0x87: {  	_ =	shalt  }
.Lfunc_end0:
.L_simem_size_0:
called_computation.2_lowered:
.L_overlay_start_0:
0x88: {  	s2 =	sld [smem:$0x3FD9]  }
0x89: {  	s3 =	sld [smem:$0x3FFE];
	_ =	sdelay $0x1  }
0x8a: {  	s1 =	srdreg.scid  }
0x8b: {  	s0 =	sand.u32 $0x1, s1  }
0x8c: {  	s17 =	sshll.u32 s0, $0xA;
	s2 =	sadd.s32 s3, s2  }
0x8d: {  	s2 =	sadd.s32 s2, s17  }
0x8e: {  	[smem:$0x3FC2] =	sst s2  }
0x8f: {  	_ = 	snop  }
0x90: {  	s2 =	sld [smem:$0x3FD0];
	(tm) =	ssettm $0x1  }
0x91: {  	s18 =	sld [smem:$0x3FFB];
	_ =	sdelay $0x3  }
0x92: {  	_ =	strace s18  }
0x93: {  	s3 =	sld [smem:$0x3FFC];
	_ =	sdelay $0x3  }
0x94: {  	_ =	strace s3  }
0x95: {  	s3 =	sld [smem:$0x3FFD];
	_ =	sdelay $0x3  }
0x96: {  	_ =	strace s3  }
0x97: {  	_ =	strace $0x8FFFFFFF  }
0x98: {  	s19 =	sld [smem:$0x3FDB];
	_ =	sdelay $0x1  }
0x99: {  	s4 =	simm.s32 $_scs_section_size  }
0x9a: {  	s5 =	simm.s32 $_size__tile_overlayer_lowered;
	s6 =	simm.s32 $_tile_overlayer_lowered  }
0x9b: {  	s22 =	simm.s32 $0x1BFF;
	s21 =	sshll.u32 s6, $0x1;
	s3 =	sadd.s32 s4, s19  }
0x9c: {  	s7 =	simm.s32 $0x0;
	s20 =	sshll.u32 s5, $0x1;
	s5 =	sadd.s32 s21, s3  }
0x9d: {  	[timem:s7], [sflag:s22] =	dma.local [hbm:s5], s20  }
0x9e: {  	_ =	swait.ge [sflag:s22], s20  }
0x9f: {  	s4 =	ssub.s32 $0x0, s20;
	[sflag:s22] =	ssyncset.done $0x0  }
0xa0: {  	[sflag:s22] =	ssyncadd.s32 s4;
	_ =	sdelay $0x1  }
0xa1: {  	s23 =	simm.s32 $0x1B8B  }
0xa2: {  	_ =	swait.ge [sflag:s23], $0x1  }
0xa3: {  	[sflag:s23] =	ssyncset.done $0x0  }
0xa4: {  	s25 =	simm.s32 $0x1B8E;
	s24 =	sld [smem:$0x3FFE];
	[sflag:s23] =	ssyncadd.s32 $0xFFFFFFFF  }
0xa5: {  	s26 =	simm.s32 $execute0_lowered;
	[smem:$0x3FD2] =	sst s25  }
0xa6: {  	s5 =	sshll.u32 s26, $0x1;
	_ =	strace $0x8000004C;
	[dreg:$0x1] =	wrdreg $0xFFFFFFFF  }
0xa7: {  	s28 =	simm.s32 $_size_execute0_lowered;
	s3 =	sadd.s32 s3, s5;
	[dreg:$0x0] =	wrdreg $0x0  }
0xa8: {  	s5 =	sshll.u32 s28, $0x1;
	[dreg:$0x2] =	wrdreg s3  }
0xa9: {  	[dreg:$0x3] =	wrdreg s5  }
0xaa: {  	[dreg:$0x4] =	wrdreg $0xC0  }
0xab: {  	_ =	task [dreg:s7], $0x5FFFF  }
0xac: {  	[dreg:$0x1] =	wrdreg $0xFFFFFFFF  }
0xad: {  	[dreg:$0x0] =	wrdreg $0x60  }
0xae: {  	[dreg:$0x2] =	wrdreg s24  }
0xaf: {  	[dreg:$0x3] =	wrdreg s2  }
0xb0: {  	[dreg:$0x4] =	wrdreg $0x58000  }
0xb1: {  	[dreg:$0x5] =	wrdreg $0x9  }
0xb2: {  	_ =	task.clear_ibuf [dreg:s7], $0x6FFFF;
	_ =	strace $0x9000004C  }
0xb3: {  	s29 =	simm.s32 $0x9;
	_ =	strace $0x8000004E  }
0xb4: {  	_ =	swait.ge [sflag:s29], $0x1  }
0xb5: {  	[sflag:s29] =	ssyncadd.s32 $0xFFFFFFFF  }
0xb6: {  	_ =	strace $0x9000004E  }
0xb7: {  	_ =	sfence  }
0xb8: {  	s30 =	sld [smem:$0x0];
	_ =	sdelay $0x2  }
0xb9: {  	s31 =	sshll.u32 s1, $0xD;
	s1 =	sshrl.u32 s1, $0x2  }
0xba: {  	s3 =	sand.u32 $0x4000, s31;
	s1 =	sadd.s32 s1, s30  }
0xbb: {  	s0 =	sor.u32 s3, s0;
	s1 =	sshll.u32 s1, $0x11  }
0xbc: {  	s0 =	sor.u32 s1, s0  }
0xbd: {  	s0 =	sadd.s32 $0x8F2B, s0  }
0xbe: {  	[sflag:s0] =	ssyncadd.remote.s32 $0x1  }
0xbf: {  	_ =	sfence.sel $0xFFFF  }
0xc0: {  	[dreg:$0x0] =	wrdreg $0xFFFFFFFF;
	(pc) =	sbr.abs _section_cstart, $3  }
0xc1: {  	[dreg:$0x1] =	wrdreg $0xFFFFFFFF  }
0xc2: {  	_ =	task.clear_ibuf [dreg:s7], $0x2FFFF;
	_ =	strace $0x9FFFFFFF  }
0xc3: {  	(tm) =	ssettm $0x7FFFFFFF  }
tec
execute0_lowered:
.L_overlay_start_1:
0x0: {  	(tag) =	ssettag $0x1  }
0x1: {  	s6 =	rddreg [dreg:$0x0]  }
0x2: {  	s1 =	rddreg [dreg:$0x1]  }
0x3: {  	s3 =	rddreg [dreg:$0x2]  }
0x4: {  	s0 =	rddreg [dreg:$0x3]  }
0x5: {  	s4 =	simm.s32 $0x0;
	s5 =	srdreg.scid;
	s2 =	stileid.u32  }
0x6: {  	s16 =	simm.s32 $0x3;
	s17 =	simm.s32 $0x2800;
	s18 =	simm.s32 $0x80  }
0x7: {  	s19 =	simm.s32 $0x5000;
	s20 =	simm.s32 $0x5400;
	s21 =	simm.s32 $0x1  }
0x8: {  	s22 =	simm.s32 $0x2;
	s23 =	simm.s32 $0x4F00;
	s24 =	simm.s32 $0x4F80  }
0x9: {  	s26 =	simm.s32 $0x0;
	s9 =	sand.u32 $0x1, s5;
	s28 =	sshll.u32 s2, $0x1  }
0xa: {  	s7 =	smul.u32 $0x1400, s2;
	[smem:$0x7FF] =	sst s4;
	s5 =	sadd.s32 $0x14800, s6  }
0xb: {  	s12 =	smul.u32 $0x5000, s2;
	s25 =	sshll.u32 s2, $0x6;
	s8 =	sor.u32 s9, s28  }
0xc: {  	s10 =	smul.u32 $0x14000, s9;
	_ =	strace $0x8000004D;
	s11 =	ssub.s32 $0x2, s9  }
0xd: {  	p0 =	sne.s32 s9, $0x0;
	s25 =	sor.u32 $0x1C03, s25;
	s8 =	smul.u32 $0x500, s8  }
0xe: {  	s30 =	sshrl.u32 s11, $0x1;
	s31 =	sshrl.u32 s12, $0x2;
	s12 =	sshll.u32 @p0 s2, $0x6  }
0xf: {  	s10 =	sadd.s32 s7, s10;
	s11 =	ssub.s32 s11, s30;
	s15 =	sadd.s32 s31, s3  }
0x10: {  	s12 =	sor.u32 @p0 $0x1C03, s12;
	s13 =	sadd.s32 s8, s6;
	s29 =	sshrl.u32 s10, $0x3  }
0x11: {  	s11 =	smax.u32 s11, $0x1;
	s14 =	sadd.s32 s29, s6;
	s6 =	sadd.s32 s7, s3  }
0x12: {  	s7 =	sshrl.u32 s7, $0x3;
	s8 =	sadd.s32 $0xA800, s13;
	s9 =	sadd.s32 $0x800, s13  }
0x13: {  	s13 =	sshrl.u32 @p0 s15, $0x3;
	s10 =	sadd.s32 $0x17000, s14;
	s14 =	sshll.u32 @!p0 s2, $0x6  }
0x14: {  	s7 =	sadd.s32 s5, s7;
	s15 =	sshrl.u32 @!p0 s6, $0x3;
	s14 =	sor.u32 @!p0 $0x1C03, s14  }
.LBB2_1:
0x15: {  	[spmem:s13], [sflag:s12] =	dma.local @p0 [hbm:s1], $0x280  }
0x16: {  	[spmem:s15], [sflag:s14] =	dma.local @!p0 [hbm:s7], $0x280  }
0x17: {  	_ =	swait.ge [sflag:s16], $0x280  }
0x18: {  	[sflag:s16] =	ssyncset.done $0x0  }
0x19: {  	[sflag:s16] =	ssyncadd.s32 $0xFFFFFD80  }
0x1a: {  	[tilespmem:s4], [sflag:$0x3] =	stream.linear.gather [hbm4b:s8+s4], $0x2800, $0x38;
	[tilespmem:$0x6C00] =	vst v63  }
0x1b: {  	_ =	swait.ge [sflag:s16], $0x2800  }
0x1c: {  	[sflag:s16] =	ssyncset.done $0x0  }
0x1d: {  	[sflag:s16] =	ssyncadd.s32 $0xFFFFD800  }
0x1e: {  	[tilespmem:s17], [sflag:$0x3] =	stream.linear.gather [hbm4b:s9+s4], $0x2800, $0x38;
	[tilespmem:$0x6C00] =	vst v63  }
0x1f: {  	_ =	swait.ge [sflag:s16], $0x2800  }
0x20: {  	[sflag:s16] =	ssyncset.done $0x0  }
0x21: {  	[sflag:s16] =	ssyncadd.s32 $0xFFFFD800  }
0x22: {  	[bflag:$0x0] =	sbarrier.arrive $0xFFFF  }
0x23: {  	[tilespmem:s19], [sflag:$0x1] =	stream.indirect.gather [hbm4b:s5+s18], $0x8, s4, s18, $0xb8;
	[tilespmem:$0x6C00] =	vst v63  }
0x24: {  	_ = 	snop  }
0x25: {  	[tilespmem:s20], [sflag:$0x2] =	stream.indirect.gather [hbm4b:s5+s18], $0x8, s18, s18, $0xb8;
	[tilespmem:$0x6C00] =	vst v63  }
0x26: {  	_ =	swait.ge [sflag:s21], $0x400  }
0x27: {  	[sflag:s21] =	ssyncset.done $0x0  }
0x28: {  	s28 =	simm.s32 $0x2800;
	[sflag:s21] =	ssyncadd.s32 $0xFFFFFC00  }
0x29: {  	[spmem:s3] =	stream.indirect.scatter.add.f32 [tilespmem:s19], [sflag:$0x3], $0x8, s28, s18, $0xb8;
	[tilespmem:$0x6C00] =	vst v63  }
0x2a: {  	_ =	swait.ge [sflag:s16], $0x400  }
0x2b: {  	[sflag:s16] =	ssyncset.done $0x0  }
0x2c: {  	s28 =	simm.s32 $0x100;
	[sflag:s16] =	ssyncadd.s32 $0xFFFFFC00  }
0x2d: {  	[tilespmem:s19], [sflag:$0x1] =	stream.indirect.gather [hbm4b:s5+s18], $0x8, s28, s18, $0xb8;
	[tilespmem:$0x6C00] =	vst v63  }
0x2e: {  	_ =	swait.ge [sflag:s22], $0x400  }
0x2f: {  	[sflag:s22] =	ssyncset.done $0x0  }
0x30: {  	s28 =	simm.s32 $0x2880;
	[sflag:s22] =	ssyncadd.s32 $0xFFFFFC00  }
0x31: {  	[spmem:s3] =	stream.indirect.scatter.add.f32 [tilespmem:s20], [sflag:$0x3], $0x8, s28, s18, $0xb8;
	[tilespmem:$0x6C00] =	vst v63  }
0x32: {  	_ =	swait.ge [sflag:s16], $0x400  }
0x33: {  	[sflag:s16] =	ssyncset.done $0x0  }
0x34: {  	s29 =	simm.s32 $0x180;
	s28 =	simm.s32 $0x400;
	[sflag:s16] =	ssyncadd.s32 $0xFFFFFC00  }
.LBB2_2:
0x35: {  	[tilespmem:s20], [sflag:$0x2] =	stream.indirect.gather [hbm4b:s5+s18], $0x8, s29, s18, $0xb8;
	[tilespmem:$0x6C00] =	vst v63  }
0x36: {  	s29 =	smov.u32 s28  }
0x37: {  	p1 =	sne.s32 s28, $0x9800;
	s28 =	sadd.s32 $0x400, s28;
	_ =	swait.ge [sflag:s21], $0x400  }
0x38: {  	s29 =	sshra.s32 s29, $0x2;
	[sflag:s21] =	ssyncset.done $0x0  }
0x39: {  	s30 =	sadd.s32 $0x2800, s29;
	[sflag:s21] =	ssyncadd.s32 $0xFFFFFC00  }
0x3a: {  	[spmem:s3] =	stream.indirect.scatter.add.f32 [tilespmem:s19], [sflag:$0x3], $0x8, s30, s18, $0xb8;
	[tilespmem:$0x6C00] =	vst v63  }
0x3b: {  	_ =	swait.ge [sflag:s16], $0x400  }
0x3c: {  	[sflag:s16] =	ssyncset.done $0x0  }
0x3d: {  	s30 =	sadd.s32 $0x100, s29;
	[sflag:s16] =	ssyncadd.s32 $0xFFFFFC00  }
0x3e: {  	[tilespmem:s19], [sflag:$0x1] =	stream.indirect.gather [hbm4b:s5+s18], $0x8, s30, s18, $0xb8;
	[tilespmem:$0x6C00] =	vst v63  }
0x3f: {  	_ =	swait.ge [sflag:s22], $0x400  }
0x40: {  	[sflag:s22] =	ssyncset.done $0x0  }
.Ltmp0:
0x41: {  	s30 =	sadd.s32 $0x2880, s29;
	[sflag:s22] =	ssyncadd.s32 $0xFFFFFC00;
	(pc) =	sbr.rel @p1 .LBB2_2-.Ltmp0, $4  }
0x42: {  	[spmem:s3] =	stream.indirect.scatter.add.f32 [tilespmem:s20], [sflag:$0x3], $0x8, s30, s18, $0xb8;
	[tilespmem:$0x6C00] =	vst v63  }
0x43: {  	_ =	swait.ge [sflag:s16], $0x400  }
0x44: {  	[sflag:s16] =	ssyncset.done $0x0  }
0x45: {  	s29 =	sadd.s32 $0x180, s29;
	[sflag:s16] =	ssyncadd.s32 $0xFFFFFC00  }
0x46: {  	[tilespmem:s20], [sflag:$0x2] =	stream.indirect.gather [hbm4b:s5+s18], $0x8, s29, s18, $0xb8;
	[tilespmem:$0x6C00] =	vst v63  }
0x47: {  	_ =	swait.ge [sflag:s21], $0x400  }
0x48: {  	[sflag:s21] =	ssyncset.done $0x0  }
0x49: {  	[sflag:s21] =	ssyncadd.s32 $0xFFFFFC00  }
0x4a: {  	[spmem:s3] =	stream.indirect.scatter.add.f32 [tilespmem:s19], [sflag:$0x3], $0x8, s23, s18, $0xb8;
	[tilespmem:$0x6C00] =	vst v63  }
0x4b: {  	_ =	swait.ge [sflag:s16], $0x400  }
0x4c: {  	[sflag:s16] =	ssyncset.done $0x0  }
0x4d: {  	[sflag:s16] =	ssyncadd.s32 $0xFFFFFC00  }
0x4e: {  	_ =	swait.ge [sflag:s22], $0x400  }
0x4f: {  	[sflag:s22] =	ssyncset.done $0x0  }
0x50: {  	[sflag:s22] =	ssyncadd.s32 $0xFFFFFC00  }
0x51: {  	[spmem:s3] =	stream.indirect.scatter.add.f32 [tilespmem:s20], [sflag:$0x3], $0x8, s24, s18, $0xb8;
	[tilespmem:$0x6C00] =	vst v63  }
0x52: {  	_ =	swait.ge [sflag:s16], $0x400  }
0x53: {  	s26 =	sadd.s32 $0x1, s26;
	[sflag:s16] =	ssyncset.done $0x0  }
0x54: {  	p1 =	sne.s32 s26, s11;
	[sflag:s16] =	ssyncadd.s32 $0xFFFFFC00  }
.Ltmp1:
0x55: {  	s28 =	sshrl.u32 s6, $0x3;
	[bflag:$0x0] =	sbarrier.arrive $0xFFFF;
	(pc) =	sbr.rel @p1 .LBB2_1-.Ltmp1, $4  }
0x56: {  	[hbm:s10], [sflag:s25] =	dma.local [spmem:s28], $0x280  }
0x57: {  	_ =	swait.ge [sflag:s16], $0x280  }
0x58: {  	[sflag:s16] =	ssyncset.done $0x0  }
0x59: {  	[sflag:s16] =	ssyncadd.s32 $0xFFFFFD80  }
0x5a: {  	_ =	sfence.sel $0x180000  }
0x5b: {  	[bflag:$0x0] =	sbarrier.arrive $0xFFFF  }
0x5c: {  	p0 =	sne.s32 s2, $0x0;
	_ =	strace $0x9000004D  }
0x5d: {  	s0 =	sadd.s32 @!p0 $0x100000, s0;
	[bflag:$0x2] =	sbarrier.arrive $0xFFFF  }
0x5e: {  	[sflag:s0] =	ssyncadd.tile.s32 @!p0 $0x1;
	_ =	shalt  }
.Lfunc_end2:
_tile_overlayer_lowered:
.L_overlay_start_2:
0x5f: {  	(tag) =	ssettag $0x2  }
0x60: {  	s0 =	rddreg [dreg:$0x0];
	s2 =	stileid.u32  }
0x61: {  	s1 =	rddreg [dreg:$0x1];
	p0 =	sne.s32 s2, $0x0  }
0x62: {  	s3 =	rddreg [dreg:$0x2];
	[bflag:$0x3] =	sbarrier.arrive $0xFFFF;
	s2 =	simm.s32 @!p0 $0x1C03  }
0x63: {  	[timem:s3], [sflag:s2] =	dma.local @!p0 [hbm:s0], s1  }
0x64: {  	s0 =	simm.s32 @!p0 $0x3  }
0x65: {  	_ =	swait.ge @!p0 [sflag:s0], s1  }
0x66: {  	s1 =	ssub.s32 @!p0 $0x0, s1;
	[sflag:s0] =	ssyncset.done @!p0 $0x0  }
0x67: {  	[sflag:s0] =	ssyncadd.s32 @!p0 s1  }
0x68: {  	[bflag:$0x3] =	sbarrier.arrive $0xFFFF  }
0x69: {  	_ =	shalt  }

// kernel: kernel.9.cloned.1.call-start
scs
__scs_entry_jumppad:
0x0: {  	(pc) =	sbr.rel $0x88, $3  }
0x1: {  	(tag) =	ssettag $0x0;
	lr =	simm.s32 $0x1  }
0x2: {  	[smem:$0x3F9B] =	sst lr;
	_ =	strace $0xD0000000  }
0x3: {  	_ = 	snop  }
0x4: {  	_ = 	snop  }
0x5: {  	_ = 	snop  }
0x6: {  	_ = 	snop  }
0x7: {  	_ = 	snop  }
__scs_overlays_trampoline_lowered:
0x8: {  	[smem:$0x3FAA] =	sst s0  }
0x9: {  	[smem:$0x3FAB] =	sst s1  }
0xa: {  	[smem:$0x3FAC] =	sst s2  }
0xb: {  	[smem:$0x3FAD] =	sst s3  }
0xc: {  	[smem:$0x3FAE] =	sst s4  }
0xd: {  	[smem:$0x3FAF] =	sst s5  }
0xe: {  	[smem:$0x3FB0] =	sst s6  }
0xf: {  	[smem:$0x3FB1] =	sst s7  }
0x10: {  	[smem:$0x3FB2] =	sst s8  }
0x11: {  	[smem:$0x3FB3] =	sst s9;
	s0 =	simm.s32 @!p0 $0x0  }
0x12: {  	s1 =	sld [smem:$0x3F99];
	s0 =	simm.s32 @p0 $0x1  }
0x13: {  	[smem:$0x3FB4] =	sst s0;
	s0 =	simm.s32 @!p1 $0x0  }
0x14: {  	s2 =	sld [smem:$0x3F98];
	s0 =	simm.s32 @p1 $0x1  }
0x15: {  	[smem:$0x3FB5] =	sst s0;
	s0 =	simm.s32 @!p2 $0x0  }
0x16: {  	s3 =	sld [smem:$0x3FDB];
	s0 =	simm.s32 @p2 $0x1  }
0x17: {  	s4 =	simm.s32 $0x1BF5;
	[smem:$0x3FB7] =	sst s0  }
0x18: {  	s0 =	sld [smem:$0x3F9A];
	_ =	swait.ge [sflag:s4], $0x0  }
0x19: {  	s7 =	sld [smem:$0x3F9B]  }
0x1a: {  	s8 =	sadd.s32 $0xFFFFE003, lr  }
0x1b: {  	s9 =	sadd.s32 $0xFFFFFEF7, lr;
	s5 =	simm.s32 $0xFFFFFFFF;
	p2 =	slt.u32 s8, $0xFFFFF086  }
0x1c: {  	p1 =	slt.u32 s9, $0xF7A;
	s5 =	simm.s32 @!p2 $0x0  }
0x1d: {  	s5 =	simm.s32 @p1 $0x1;
	p0 =	seq.s32 s7, s2  }
0x1e: {  	s7 =	smul.u32 @!p0 $0xF7A, s2;
	p2 =	seq.s32 @!p0 s5, $0x0  }
0x1f: {  	s9 =	smul.u32 $0xF7A, s1;
	s8 =	simm.s32 @!p0 $0x1BF5;
	p2 =	por !p2, p0  }
0x20: {  	[sflag:s8] =	ssyncset.s32 @!p0 $0xFFFFF086;
	s6 =	sadd.s32 @!p0 s3, s7;
	s7 =	simm.s32 @!p0 $0x108  }
0x21: {  	s3 =	sadd.s32 s3, s9;
	s6 =	sadd.s32 @!p0 $0x88, s6;
	s7 =	simm.s32 @p2 $0x1082  }
0x22: {  	[simem:s7], [sflag:s8] =	dma.local @!p0 [hbm:s6], $0xF7A  }
0x23: {  	s9 =	sor.u32 $0xD0000000, s2;
	s6 =	simm.s32 $0x108;
	_ =	swait.ge @!p0 [sflag:s8], $0x0  }
0x24: {  	s3 =	sadd.s32 $0x88, s3;
	s6 =	simm.s32 @!p1 $0x1082;
	[sflag:s4] =	ssyncset.s32 $0xFFFFF086  }
0x25: {  	[simem:s6], [sflag:s4] =	dma.local [hbm:s3], $0xF7A  }
0x26: {  	[smem:$0x3F9B] =	sst s1;
	(tag) =	ssettag s2;
	_ =	strace s9  }
0x27: {  	s1 =	sld [smem:$0x3FAB]  }
0x28: {  	s2 =	sld [smem:$0x3FAC]  }
0x29: {  	s4 =	sld [smem:$0x3FAE]  }
0x2a: {  	p0 =	seq.s32 s5, $0x0;
	s5 =	sld [smem:$0x3FAF]  }
0x2b: {  	s6 =	sld [smem:$0x3FB0]  }
0x2c: {  	s7 =	sld [smem:$0x3FB1]  }
0x2d: {  	s3 =	simm.s32 $0x108;
	s8 =	sld [smem:$0x3FB2]  }
0x2e: {  	s3 =	simm.s32 @!p0 $0x1082;
	s9 =	sld [smem:$0x3FB3]  }
0x2f: {  	lr =	sadd.s32 s0, s3;
	s0 =	sld [smem:$0x3FAA]  }
0x30: {  	s3 =	sld [smem:$0x3FAD]  }
0x31: {  	[smem:$0x3FB6] =	sst s10  }
0x32: {  	s10 =	sld [smem:$0x3FB4];
	_ =	sdelay $0x3  }
0x33: {  	p0 =	seq.s32 s10, $0x1;
	s10 =	sld [smem:$0x3FB6];
	_ =	sdelay $0x3  }
0x34: {  	[smem:$0x3FB6] =	sst s10  }
0x35: {  	s10 =	sld [smem:$0x3FB5];
	_ =	sdelay $0x3  }
0x36: {  	p1 =	seq.s32 s10, $0x1;
	s10 =	sld [smem:$0x3FB6];
	_ =	sdelay $0x3  }
0x37: {  	[smem:$0x3FB6] =	sst s10  }
0x38: {  	s10 =	sld [smem:$0x3FB7]  }
0x39: {  	_ = 	snop;
	(pc) =	sbr.ind lr, $3  }
0x3a: {  	_ = 	snop  }
0x3b: {  	_ = 	snop  }
0x3c: {  	p2 =	seq.s32 s10, $0x1;
	s10 =	sld [smem:$0x3FB6]  }
0x3d: {  	_ =	shalt  }
0x3e: {  	_ =	shalt  }
0x3f: {  	_ =	shalt  }
0x40: {  	_ =	shalt  }
0x41: {  	_ =	shalt  }
0x42: {  	_ =	shalt  }
0x43: {  	_ =	shalt  }
0x44: {  	_ =	shalt  }
0x45: {  	_ =	shalt  }
0x46: {  	_ =	shalt  }
0x47: {  	_ =	shalt  }
0x48: {  	_ =	shalt  }
0x49: {  	_ =	shalt  }
0x4a: {  	_ =	shalt  }
0x4b: {  	_ =	shalt  }
0x4c: {  	_ =	shalt  }
0x4d: {  	_ =	shalt  }
0x4e: {  	_ =	shalt  }
0x4f: {  	_ =	shalt  }
0x50: {  	_ =	shalt  }
0x51: {  	_ =	shalt  }
0x52: {  	_ =	shalt  }
0x53: {  	_ =	shalt  }
0x54: {  	_ =	shalt  }
0x55: {  	_ =	shalt  }
0x56: {  	_ =	shalt  }
0x57: {  	_ =	shalt  }
0x58: {  	_ =	shalt  }
0x59: {  	_ =	shalt  }
0x5a: {  	_ =	shalt  }
0x5b: {  	_ =	shalt  }
0x5c: {  	_ =	shalt  }
0x5d: {  	_ =	shalt  }
0x5e: {  	_ =	shalt  }
0x5f: {  	_ =	shalt  }
0x60: {  	_ =	shalt  }
0x61: {  	_ =	shalt  }
0x62: {  	_ =	shalt  }
0x63: {  	_ =	shalt  }
0x64: {  	_ =	shalt  }
0x65: {  	_ =	shalt  }
0x66: {  	_ =	shalt  }
0x67: {  	_ =	shalt  }
0x68: {  	_ =	shalt  }
0x69: {  	_ =	shalt  }
0x6a: {  	_ =	shalt  }
0x6b: {  	_ =	shalt  }
0x6c: {  	_ =	shalt  }
0x6d: {  	_ =	shalt  }
0x6e: {  	_ =	shalt  }
0x6f: {  	_ =	shalt  }
0x70: {  	_ =	shalt  }
0x71: {  	_ =	shalt  }
0x72: {  	_ =	shalt  }
0x73: {  	_ =	shalt  }
0x74: {  	_ =	shalt  }
0x75: {  	_ =	shalt  }
0x76: {  	_ =	shalt  }
0x77: {  	_ =	shalt  }
0x78: {  	_ =	shalt  }
0x79: {  	_ =	shalt  }
0x7a: {  	_ =	shalt  }
0x7b: {  	_ =	shalt  }
0x7c: {  	_ =	shalt  }
0x7d: {  	_ =	shalt  }
0x7e: {  	_ =	shalt  }
0x7f: {  	_ =	shalt  }
0x80: {  	_ =	shalt  }
0x81: {  	_ =	shalt  }
0x82: {  	_ =	shalt  }
0x83: {  	_ =	shalt  }
0x84: {  	_ =	shalt  }
0x85: {  	_ =	shalt  }
0x86: {  	_ =	shalt  }
0x87: {  	_ =	shalt  }
.Lfunc_end0:
.L_simem_size_0:
called_computation_lowered:
.L_overlay_start_0:
0x88: {  	s2 =	sld [smem:$0x3FD9]  }
0x89: {  	s3 =	sld [smem:$0x3FFE];
	_ =	sdelay $0x1  }
0x8a: {  	s1 =	srdreg.scid  }
0x8b: {  	s0 =	sand.u32 $0x1, s1  }
0x8c: {  	s16 =	sshll.u32 s0, $0xA;
	s2 =	sadd.s32 s3, s2  }
0x8d: {  	s2 =	sadd.s32 s2, s16  }
0x8e: {  	[smem:$0x3FC2] =	sst s2  }
0x8f: {  	_ = 	snop  }
0x90: {  	(tm) =	ssettm $0x1  }
0x91: {  	s17 =	sld [smem:$0x3FFB];
	_ =	sdelay $0x3  }
0x92: {  	_ =	strace s17  }
0x93: {  	s2 =	sld [smem:$0x3FFC];
	_ =	sdelay $0x3  }
0x94: {  	_ =	strace s2  }
0x95: {  	s2 =	sld [smem:$0x3FFD];
	_ =	sdelay $0x3  }
0x96: {  	_ =	strace s2  }
0x97: {  	_ =	strace $0x8FFFFFFF  }
0x98: {  	s18 =	sld [smem:$0x3FDB];
	_ =	sdelay $0x1  }
0x99: {  	s19 =	simm.s32 $_scs_section_size  }
0x9a: {  	s4 =	simm.s32 $_size__tile_overlayer_lowered;
	s5 =	simm.s32 $_tile_overlayer_lowered  }
0x9b: {  	s22 =	simm.s32 $0x1BFF;
	s21 =	sshll.u32 s5, $0x1;
	s2 =	sadd.s32 s19, s18  }
0x9c: {  	s6 =	simm.s32 $0x0;
	s20 =	sshll.u32 s4, $0x1;
	s4 =	sadd.s32 s21, s2  }
0x9d: {  	[timem:s6], [sflag:s22] =	dma.local [hbm:s4], s20  }
0x9e: {  	_ =	swait.ge [sflag:s22], s20  }
0x9f: {  	s3 =	ssub.s32 $0x0, s20;
	[sflag:s22] =	ssyncset.done $0x0  }
0xa0: {  	[sflag:s22] =	ssyncadd.s32 s3;
	_ =	sdelay $0x1  }
0xa1: {  	s23 =	simm.s32 $0x1B8B  }
0xa2: {  	_ =	swait.ge [sflag:s23], $0x1  }
0xa3: {  	[sflag:s23] =	ssyncset.done $0x0  }
0xa4: {  	s25 =	simm.s32 $0x1B8E;
	s24 =	sld [smem:$0x3FFE];
	[sflag:s23] =	ssyncadd.s32 $0xFFFFFFFF  }
0xa5: {  	s26 =	simm.s32 $execute0_lowered;
	[smem:$0x3FD2] =	sst s25  }
0xa6: {  	s4 =	sshll.u32 s26, $0x1;
	_ =	strace $0x80000046;
	[dreg:$0x1] =	wrdreg $0xFFFFFFFF  }
0xa7: {  	s28 =	simm.s32 $_size_execute0_lowered;
	s2 =	sadd.s32 s2, s4;
	[dreg:$0x0] =	wrdreg $0x0  }
0xa8: {  	s4 =	sshll.u32 s28, $0x1;
	[dreg:$0x2] =	wrdreg s2  }
0xa9: {  	[dreg:$0x3] =	wrdreg s4  }
0xaa: {  	[dreg:$0x4] =	wrdreg $0xC0  }
0xab: {  	_ =	task [dreg:s6], $0x5FFFF  }
0xac: {  	[dreg:$0x1] =	wrdreg $0xFFFFFFFF  }
0xad: {  	[dreg:$0x0] =	wrdreg $0x60  }
0xae: {  	[dreg:$0x2] =	wrdreg s24  }
0xaf: {  	[dreg:$0x3] =	wrdreg $0x2B000  }
0xb0: {  	[dreg:$0x4] =	wrdreg $0x9  }
0xb1: {  	_ =	task.clear_ibuf [dreg:s6], $0x5FFFF;
	_ =	strace $0x90000046  }
0xb2: {  	s29 =	simm.s32 $0x9;
	_ =	strace $0x80000048  }
0xb3: {  	_ =	swait.ge [sflag:s29], $0x1  }
0xb4: {  	[sflag:s29] =	ssyncadd.s32 $0xFFFFFFFF  }
0xb5: {  	_ =	strace $0x90000048  }
0xb6: {  	_ =	sfence  }
0xb7: {  	s30 =	sld [smem:$0x0];
	_ =	sdelay $0x2  }
0xb8: {  	s31 =	sshll.u32 s1, $0xD;
	s1 =	sshrl.u32 s1, $0x2  }
0xb9: {  	s3 =	sand.u32 $0x4000, s31;
	s1 =	sadd.s32 s1, s30  }
0xba: {  	s0 =	sor.u32 s3, s0;
	s1 =	sshll.u32 s1, $0x11  }
0xbb: {  	s0 =	sor.u32 s1, s0  }
0xbc: {  	s0 =	sadd.s32 $0x8F2B, s0  }
0xbd: {  	[sflag:s0] =	ssyncadd.remote.s32 $0x1  }
0xbe: {  	_ =	sfence.sel $0xFFFF  }
0xbf: {  	[dreg:$0x0] =	wrdreg $0xFFFFFFFF;
	(pc) =	sbr.abs _section_cstart, $3  }
0xc0: {  	[dreg:$0x1] =	wrdreg $0xFFFFFFFF  }
0xc1: {  	_ =	task.clear_ibuf [dreg:s6], $0x2FFFF;
	_ =	strace $0x9FFFFFFF  }
0xc2: {  	(tm) =	ssettm $0x7FFFFFFF  }
0xc3: {  	_ =	shalt  }
tec
execute0_lowered:
.L_overlay_start_1:
0x0: {  	(tag) =	ssettag $0x1  }
0x1: {  	s4 =	rddreg [dreg:$0x0]  }
0x2: {  	s2 =	rddreg [dreg:$0x1];
	s3 =	srdreg.scid  }
0x3: {  	s1 =	stileid.u32;
	s0 =	rddreg [dreg:$0x2];
	s10 =	simm.s32 $0x80  }
0x4: {  	s11 =	simm.s32 $0x2800;
	s14 =	simm.s32 $0x0;
	s5 =	sand.u32 $0x1, s3  }
0x5: {  	s6 =	smul.u32 $0x280, s1;
	s3 =	simm.s32 $0x0;
	s7 =	sshll.u32 s1, $0x1  }
0x6: {  	s12 =	sshll.u32 s1, $0x6;
	s8 =	smul.u32 $0x2800, s5;
	[smem:$0x7FF] =	sst s3  }
0x7: {  	s7 =	sor.u32 s5, s7;
	s5 =	ssub.s32 $0x2, s5;
	s12 =	sor.u32 $0x1C01, s12  }
0x8: {  	s7 =	smul.u32 $0x500, s7;
	s9 =	sshrl.u32 s5, $0x1;
	s8 =	sadd.s32 s6, s8  }
0x9: {  	_ =	strace $0x80000047;
	s9 =	ssub.s32 s5, s9;
	s8 =	sshrl.u32 s8, $0x3  }
0xa: {  	s7 =	sadd.s32 s7, s4;
	s8 =	sadd.s32 s8, s4;
	s4 =	sadd.s32 s6, s2  }
0xb: {  	s5 =	sadd.s32 $0x800, s7;
	s7 =	smax.u32 s9, $0x1;
	s9 =	simm.s32 $0x1  }
0xc: {  	v0 =	vimm.f32 $0.0e+00;
	v1 =	vimm.f32 $1.000000000e+00;
	s6 =	sadd.s32 $0x14800, s8;
	s8 =	simm.s32 $0x2880;
	s13 =	sshrl.u32 s4, $0x3  }
.LBB2_1:
0xd: {  	[tilespmem:$0x2880] =	vst v0  }
0xe: {  	[tilespmem:$0x2890] =	vst v0  }
0xf: {  	[tilespmem:$0x28A0] =	vst v0  }
0x10: {  	[tilespmem:$0x28B0] =	vst v0  }
0x11: {  	[tilespmem:$0x28C0] =	vst v0  }
0x12: {  	[tilespmem:$0x28D0] =	vst v0  }
0x13: {  	[tilespmem:$0x28E0] =	vst v0  }
0x14: {  	[tilespmem:$0x28F0] =	vst v0  }
0x15: {  	[tilespmem:$0x2900] =	vst v0  }
0x16: {  	[tilespmem:$0x2910] =	vst v0  }
0x17: {  	[tilespmem:$0x2920] =	vst v0  }
0x18: {  	[tilespmem:$0x2930] =	vst v0  }
0x19: {  	[tilespmem:$0x2940] =	vst v0  }
0x1a: {  	[tilespmem:$0x2950] =	vst v0  }
0x1b: {  	[tilespmem:$0x2960] =	vst v0  }
0x1c: {  	[tilespmem:$0x2970] =	vst v0  }
0x1d: {  	[tilespmem:$0x2980] =	vst v0  }
0x1e: {  	[tilespmem:$0x2990] =	vst v0  }
0x1f: {  	[tilespmem:$0x29A0] =	vst v0  }
0x20: {  	[tilespmem:$0x29B0] =	vst v0  }
0x21: {  	[tilespmem:$0x29C0] =	vst v0  }
0x22: {  	[tilespmem:$0x29D0] =	vst v0  }
0x23: {  	[tilespmem:$0x29E0] =	vst v0  }
0x24: {  	[tilespmem:$0x29F0] =	vst v0  }
0x25: {  	[tilespmem:$0x2A00] =	vst v0  }
0x26: {  	[tilespmem:$0x2A10] =	vst v0  }
0x27: {  	[tilespmem:$0x2A20] =	vst v0  }
0x28: {  	[tilespmem:$0x2A30] =	vst v0  }
0x29: {  	[tilespmem:$0x2A40] =	vst v0  }
0x2a: {  	[tilespmem:$0x2A50] =	vst v0  }
0x2b: {  	[tilespmem:$0x2A60] =	vst v0  }
0x2c: {  	[tilespmem:$0x2A70] =	vst v0  }
0x2d: {  	[tilespmem:$0x2A80] =	vst v0  }
0x2e: {  	[tilespmem:$0x2A90] =	vst v0  }
0x2f: {  	[tilespmem:$0x2AA0] =	vst v0  }
0x30: {  	[tilespmem:$0x2AB0] =	vst v0  }
0x31: {  	[tilespmem:$0x2AC0] =	vst v0  }
0x32: {  	[tilespmem:$0x2AD0] =	vst v0  }
0x33: {  	[tilespmem:$0x2AE0] =	vst v0  }
0x34: {  	[tilespmem:$0x2AF0] =	vst v0  }
0x35: {  	[tilespmem:$0x2800] =	vst v1  }
0x36: {  	[tilespmem:$0x2810] =	vst v1  }
0x37: {  	[tilespmem:$0x2820] =	vst v1  }
0x38: {  	[tilespmem:$0x2830] =	vst v1  }
0x39: {  	[tilespmem:$0x2840] =	vst v1  }
0x3a: {  	[tilespmem:$0x2850] =	vst v1  }
0x3b: {  	[tilespmem:$0x2860] =	vst v1  }
0x3c: {  	[tilespmem:$0x2870] =	vst v1  }
0x3d: {  	[spmem:s4] =	stream.linear.scatter [tilespmem:s8], [sflag:$0x1], $0x280, $0x38;
	[tilespmem:$0x2D80] =	vst v63  }
0x3e: {  	_ =	swait.ge [sflag:s9], $0x280  }
0x3f: {  	[sflag:s9] =	ssyncset.done $0x0  }
0x40: {  	[sflag:s9] =	ssyncadd.s32 $0xFFFFFD80  }
0x41: {  	[tilespmem:s3], [sflag:$0x1] =	stream.linear.gather [hbm4b:s5+s3], $0x2800, $0x38;
	[tilespmem:$0x2D80] =	vst v63  }
0x42: {  	_ =	swait.ge [sflag:s9], $0x2800  }
0x43: {  	[sflag:s9] =	ssyncset.done $0x0  }
0x44: {  	[sflag:s9] =	ssyncadd.s32 $0xFFFFD800  }
0x45: {  	s15 =	simm.s32 $0x0;
	[bflag:$0x0] =	sbarrier.arrive $0xFFFF  }
0x46: {  	[spmem:s2] =	stream.indirect.scatter.add.f32 [tilespmem:s11], [sflag:$0x1], $0x1, s15, s10, $0xb8;
	[tilespmem:$0x2D80] =	vst v63  }
0x47: {  	_ =	swait.ge [sflag:s9], $0x80  }
0x48: {  	s15 =	simm.s32 $0x200;
	[sflag:s9] =	ssyncset.done $0x0  }
.LBB2_2:
0x49: {  	s16 =	sshra.s32 s15, $0x2;
	[sflag:s9] =	ssyncadd.s32 $0xFFFFFF80;
	p0 =	sne.s32 s15, $0x9E00  }
0x4a: {  	[spmem:s2] =	stream.indirect.scatter.add.f32 [tilespmem:s11], [sflag:$0x1], $0x1, s16, s10, $0xb8;
	[tilespmem:$0x2D80] =	vst v63  }
.Ltmp0:
0x4b: {  	_ = 	snop;
	(pc) =	sbr.rel @p0 .LBB2_2-.Ltmp0, $4  }
0x4c: {  	_ = 	snop  }
0x4d: {  	s15 =	sadd.s32 $0x200, s15  }
0x4e: {  	_ =	swait.ge [sflag:s9], $0x80  }
0x4f: {  	[sflag:s9] =	ssyncset.done $0x0  }
0x50: {  	s14 =	sadd.s32 $0x1, s14  }
0x51: {  	[sflag:s9] =	ssyncadd.s32 $0xFFFFFF80;
	p0 =	sne.s32 s14, s7  }
.Ltmp1:
0x52: {  	[bflag:$0x0] =	sbarrier.arrive $0xFFFF;
	(pc) =	sbr.rel @p0 .LBB2_1-.Ltmp1, $4  }
0x53: {  	[hbm:s6], [sflag:s12] =	dma.local [spmem:s13], $0x50  }
0x54: {  	_ =	swait.ge [sflag:s9], $0x50  }
0x55: {  	[sflag:s9] =	ssyncset.done $0x0  }
0x56: {  	[sflag:s9] =	ssyncadd.s32 $0xFFFFFFB0  }
0x57: {  	_ =	sfence.sel $0x180000  }
0x58: {  	[bflag:$0x0] =	sbarrier.arrive $0xFFFF  }
0x59: {  	p0 =	sne.s32 s1, $0x0;
	_ =	strace $0x90000047  }
0x5a: {  	s0 =	sadd.s32 @!p0 $0x100000, s0;
	[bflag:$0x2] =	sbarrier.arrive $0xFFFF  }
0x5b: {  	[sflag:s0] =	ssyncadd.tile.s32 @!p0 $0x1;
	_ =	shalt  }
.Lfunc_end2:
_tile_overlayer_lowered:
.L_overlay_start_2:
0x5c: {  	(tag) =	ssettag $0x2  }
0x5d: {  	s0 =	rddreg [dreg:$0x0];
	s2 =	stileid.u32  }
0x5e: {  	s1 =	rddreg [dreg:$0x1];
	p0 =	sne.s32 s2, $0x0  }
0x5f: {  	s3 =	rddreg [dreg:$0x2];
	[bflag:$0x3] =	sbarrier.arrive $0xFFFF;
	s2 =	simm.s32 @!p0 $0x1C01  }
0x60: {  	[timem:s3], [sflag:s2] =	dma.local @!p0 [hbm:s0], s1  }
0x61: {  	s0 =	simm.s32 @!p0 $0x1  }
0x62: {  	_ =	swait.ge @!p0 [sflag:s0], s1  }
0x63: {  	s1 =	ssub.s32 @!p0 $0x0, s1;
	[sflag:s0] =	ssyncset.done @!p0 $0x0  }
0x64: {  	[sflag:s0] =	ssyncadd.s32 @!p0 s1  }
0x65: {  	[bflag:$0x3] =	sbarrier.arrive $0xFFFF  }
0x66: {  	_ =	shalt  }

</sc_bundles>
